<compile_context>
chip_gen: v7x
topology: tpu7x:2x2x1
jax: 0.10.2.dev20260603
libtpu: 0.0.44.dev20260713+nightly
codegen_flags: <defaults>
</compile_context>

<pallas_src>
import jax
import jax.numpy as jnp
from jax import lax
from jax.experimental import pallas as pl
from jax.experimental.pallas import tpu as pltpu
from jax.experimental.pallas import tpu_sc as plsc

E = 32000
N = 2000
H = 16
NT = 16
PT = E // NT
NC = PT // 16


def _sc_kernel_body(x0_h, src_h, dst_h, ubc_h, vbc_h, b2bc_h, w3bc_h,
                    c_h, x2p_h,
                    srcv, dstv, ubcv, vbcv, b2bcv, w3bcv,
                    g1, msgv, normv, initv, d2v, p0v, pav, pbv, valv,
                    resv, redv, acc_sh, acc2_sh, val_sh):
    tid = lax.axis_index("s")
    base = tid * PT
    zero16 = jnp.zeros((16,), jnp.float32)
    one16 = jnp.full((16,), 1.0, jnp.float32)

    def ds(i):
        return pl.ds(i * 16, 16)

    def fill(ref, lo, hi, vec):
        lax.fori_loop(lo, hi, lambda i, _: (ref.__setitem__(ds(i), vec), 0)[1],
                      0)

    pltpu.sync_copy(src_h.at[tid], srcv)
    pltpu.sync_copy(dst_h.at[tid], dstv)
    pltpu.sync_copy(ubc_h, ubcv)
    pltpu.sync_copy(vbc_h, vbcv)
    pltpu.sync_copy(b2bc_h, b2bcv)
    pltpu.sync_copy(w3bc_h, w3bcv)

    fill(initv, 0, NC, one16)
    pltpu.sync_copy(initv, acc_sh.at[pl.ds(base, PT)])
    fill(msgv, 0, NC, one16)
    plsc.subcore_barrier()
    pltpu.sync_copy(msgv, acc_sh.at[dstv], add=True)
    plsc.subcore_barrier()
    pltpu.sync_copy(acc_sh.at[pl.ds(base, PT)], p0v)

    def rsqrt_body(i, _):
        d = p0v[ds(i)]
        y = jnp.full((16,), 2.0 ** -8, jnp.float32)
        for k in range(7, 0, -1):
            y = jnp.where(d < 4.0 ** k, jnp.float32(2.0 ** -k), y)
        for _ in range(5):
            y = y * (1.5 - 0.5 * d * y * y)
        valv[ds(i)] = y
        d2v[ds(i)] = one16 / d
        return 0

    lax.fori_loop(0, NC, rsqrt_body, 0)
    pltpu.sync_copy(valv, val_sh.at[pl.ds(base, PT)])
    plsc.subcore_barrier()

    pltpu.sync_copy(val_sh.at[srcv], g1)
    pltpu.sync_copy(val_sh.at[dstv], msgv)
    lax.fori_loop(0, NC, lambda i, _: (normv.__setitem__(
        ds(i), g1[ds(i)] * msgv[ds(i)]), 0)[1], 0)

    def prop(out_ref):
        plsc.subcore_barrier()
        pltpu.sync_copy(valv, val_sh.at[pl.ds(base, PT)])
        lax.fori_loop(0, NC, lambda i, _: (initv.__setitem__(
            ds(i), d2v[ds(i)] * valv[ds(i)]), 0)[1], 0)
        pltpu.sync_copy(initv, acc_sh.at[pl.ds(base, PT)])
        plsc.subcore_barrier()
        pltpu.sync_copy(val_sh.at[srcv], g1)
        lax.fori_loop(0, NC, lambda i, _: (msgv.__setitem__(
            ds(i), g1[ds(i)] * normv[ds(i)]), 0)[1], 0)
        pltpu.sync_copy(msgv, acc_sh.at[dstv], add=True)
        plsc.subcore_barrier()
        pltpu.sync_copy(acc_sh.at[pl.ds(base, PT)], out_ref)

    pltpu.sync_copy(x0_h.at[pl.ds(base, PT)], valv)
    prop(p0v)

    plsc.subcore_barrier()
    pltpu.sync_copy(p0v, val_sh.at[pl.ds(base, PT)])

    def init2_body(i, _):
        p = p0v[ds(i)]
        d2 = d2v[ds(i)]
        initv[ds(i)] = d2 * jnp.maximum(p, 0.0)
        valv[ds(i)] = d2 * jnp.minimum(p, 0.0)
        return 0

    lax.fori_loop(0, NC, init2_body, 0)
    pltpu.sync_copy(initv, acc_sh.at[pl.ds(base, PT)])
    pltpu.sync_copy(valv, acc2_sh.at[pl.ds(base, PT)])
    plsc.subcore_barrier()
    pltpu.sync_copy(val_sh.at[srcv], g1)

    def msg2_body(i, _):
        g = g1[ds(i)]
        nm = normv[ds(i)]
        msgv[ds(i)] = nm * jnp.maximum(g, 0.0)
        initv[ds(i)] = nm * jnp.minimum(g, 0.0)
        return 0

    lax.fori_loop(0, NC, msg2_body, 0)
    pltpu.sync_copy(msgv, acc_sh.at[dstv], add=True)
    pltpu.sync_copy(initv, acc2_sh.at[dstv], add=True)
    plsc.subcore_barrier()
    pltpu.sync_copy(acc_sh.at[pl.ds(base, PT)], pav)
    pltpu.sync_copy(acc2_sh.at[pl.ds(base, PT)], pbv)

    fill(redv, 0, H, zero16)

    def s_body(i, _):
        pa = pav[ds(i)]
        pb = pbv[ds(i)]
        s_acc = zero16
        for j in range(H):
            rl = jnp.maximum(pa * ubcv[j] + pb * vbcv[j] + b2bcv[j], 0.0)
            s_acc = s_acc + rl * w3bcv[j]
            redv[ds(j)] = redv[ds(j)] + rl
        valv[ds(i)] = s_acc
        return 0

    lax.fori_loop(0, NC, s_body, 0)
    pltpu.sync_copy(redv, x2p_h.at[tid])

    prop(resv)
    pltpu.sync_copy(resv, c_h.at[pl.ds(base, PT)])


def _make_sc_call():
    mesh = plsc.VectorSubcoreMesh(core_axis_name="c", subcore_axis_name="s",
                                  num_cores=1, num_subcores=NT)
    out_type = (
        jax.ShapeDtypeStruct((E,), jnp.float32),
        jax.ShapeDtypeStruct((NT, H * 16), jnp.float32),
    )
    scratch = [
        pltpu.VMEM((PT,), jnp.int32),
        pltpu.VMEM((PT,), jnp.int32),
        pltpu.VMEM((H, 16), jnp.float32),
        pltpu.VMEM((H, 16), jnp.float32),
        pltpu.VMEM((H, 16), jnp.float32),
        pltpu.VMEM((H, 16), jnp.float32),
        pltpu.VMEM((PT,), jnp.float32),
        pltpu.VMEM((PT,), jnp.float32),
        pltpu.VMEM((PT,), jnp.float32),
        pltpu.VMEM((PT,), jnp.float32),
        pltpu.VMEM((PT,), jnp.float32),
        pltpu.VMEM((PT,), jnp.float32),
        pltpu.VMEM((PT,), jnp.float32),
        pltpu.VMEM((PT,), jnp.float32),
        pltpu.VMEM((PT,), jnp.float32),
        pltpu.VMEM((PT,), jnp.float32),
        pltpu.VMEM((H * 16,), jnp.float32),
        pltpu.VMEM_SHARED((E,), jnp.float32),
        pltpu.VMEM_SHARED((E,), jnp.float32),
        pltpu.VMEM_SHARED((E,), jnp.float32),
    ]
    return pl.kernel(_sc_kernel_body, out_type=out_type, mesh=mesh,
                     scratch_types=scratch)


_NB = 80
_KN = N // _NB


def _tc_body(wlin_ref, wlin2_ref, c_ref, c2_ref, blin_ref, b3_ref, x2p_ref,
             sel_ref, wfc_ref, bfc_ref, choice_ref, value_ref, t_ref):
    i = pl.program_id(0)
    b3 = b3_ref[0, 0]
    r = (jnp.sum(wlin_ref[...] * (c_ref[...] + b3), axis=1)
         + jnp.sum(wlin2_ref[...] * (c2_ref[...] + b3), axis=1))[None, :]
    t_ref[pl.ds(i * 8, 8), :] = jnp.broadcast_to(r, (8, _NB))

    @pl.when(i == _KN - 1)
    def _():
        t = jnp.maximum(t_ref[...] + blin_ref[...], 0.0)
        m = jnp.max(t)
        ex = jnp.exp(t - m)
        choice_ref[...] = ex * (8.0 / jnp.sum(ex))
        col = jnp.sum(x2p_ref[...], axis=0, keepdims=True)
        sm = jnp.dot(col, sel_ref[...],
                     preferred_element_type=jnp.float32) / float(E)
        value_ref[...] = (jnp.sum(sm[0, :] * wfc_ref[0, :])
                          + bfc_ref[0, 0]).reshape(1, 1)


def _tc_call(wlin, c2, blin_b, b3_2, x2p, sel, wfc, bfc2):
    return pl.pallas_call(
        _tc_body,
        grid=(_KN,),
        in_specs=[
            pl.BlockSpec((_NB, E // 2), lambda i: (i, 0)),
            pl.BlockSpec((_NB, E // 2), lambda i: (i, 1)),
            pl.BlockSpec((1, E // 2), lambda i: (0, 0)),
            pl.BlockSpec((1, E // 2), lambda i: (0, 1)),
            pl.BlockSpec((8 * _KN, _NB), lambda i: (0, 0)),
            pl.BlockSpec((1, 1), lambda i: (0, 0)),
            pl.BlockSpec((NT, H * 16), lambda i: (0, 0)),
            pl.BlockSpec((H * 16, H), lambda i: (0, 0)),
            pl.BlockSpec((1, H), lambda i: (0, 0)),
            pl.BlockSpec((1, 1), lambda i: (0, 0)),
        ],
        out_specs=[
            pl.BlockSpec((8 * _KN, _NB), lambda i: (0, 0)),
            pl.BlockSpec((1, 1), lambda i: (0, 0)),
        ],
        out_shape=[
            jax.ShapeDtypeStruct((8 * _KN, _NB), jnp.float32),
            jax.ShapeDtypeStruct((1, 1), jnp.float32),
        ],
        scratch_shapes=[pltpu.VMEM((8 * _KN, _NB), jnp.float32)],
        compiler_params=pltpu.CompilerParams(
            dimension_semantics=("arbitrary",)),
    )(wlin, wlin, c2, c2, blin_b, b3_2, x2p, sel, wfc, bfc2)


@jax.jit
def kernel(edge_attr, edge_index, W1, b1, W2, b2, W3, b3, Wlin, blin, Wfc, bfc):
    x0 = edge_attr[:, 0].astype(jnp.float32)
    src = edge_index[0].astype(jnp.int32).reshape(NT, PT)
    dst = edge_index[1].astype(jnp.int32).reshape(NT, PT)

    w1p = jnp.maximum(W1[0], 0.0)
    w1m = jnp.minimum(W1[0], 0.0)
    u = w1p @ W2
    v = w1m @ W2
    tile16 = lambda w: jnp.tile(w.reshape(H, 1), (1, 16)).astype(jnp.float32)

    sc = _make_sc_call()
    c, x2p = sc(x0, src, dst, tile16(u), tile16(v),
                tile16(b2), tile16(W3[:, 0]))

    sel = (jnp.arange(H * 16, dtype=jnp.int32)[:, None] // 16
           == jnp.arange(H, dtype=jnp.int32)[None, :]).astype(jnp.float32)
    blin_b = jnp.broadcast_to(blin.reshape(_KN, 1, _NB),
                              (_KN, 8, _NB)).reshape(8 * _KN, _NB)
    choice2, value = _tc_call(
        Wlin, c.reshape(1, E), blin_b,
        b3.reshape(1, 1).astype(jnp.float32), x2p, sel, Wfc,
        bfc.reshape(1, 1).astype(jnp.float32))
    choice = choice2.reshape(_KN, 8, _NB)[:, 0, :].reshape(N)
    return choice, value

# --- scband reference (transcript-rebuilt; emitter-appended) ---
"""Pipeline reference for scband-tspgnn-83399674954174 (READ-ONLY COPY).

The authoritative reference and input builder live on the scoring server;
editing this copy changes nothing except your own understanding.
"""

import jax, jax.numpy as jnp
import numpy as np

E = 32000  # num_edges == rows of edge_attr (GCN operates on edge features)
N = 2000   # num_nodes (graph.x / choices length), output of the fresh Linear
H = 16


def gcn_conv(x, src, dst, W, b):
    n = x.shape[0]
    loop = jnp.arange(n, dtype=src.dtype)
    src_sl = jnp.concatenate([src, loop])
    dst_sl = jnp.concatenate([dst, loop])
    h = x @ W
    deg = jnp.zeros((n,), dtype=x.dtype).at[dst_sl].add(1.0)
    dinv = jnp.where(deg > 0, 1.0 / jnp.sqrt(deg), 0.0)
    norm = dinv[src_sl] * dinv[dst_sl]
    msg = norm[:, None] * jnp.take(h, src_sl, axis=0)
    out = jnp.zeros_like(h).at[dst_sl].add(msg)
    return out + b


def setup_inputs(seed: int = 0) -> dict:
    key = jax.random.key(seed)
    ks = jax.random.split(key, 12)
    inp = {}
    inp['edge_attr'] = jax.random.normal(ks[0], (E, 1), dtype=jnp.float32)
    inp['edge_index'] = jax.random.randint(ks[1], (2, E), 0, E, dtype=jnp.int64)
    inp['W1'] = jax.random.normal(ks[2], (1, H), dtype=jnp.float32) * 0.5
    inp['b1'] = jnp.zeros((H,), dtype=jnp.float32)
    inp['W2'] = jax.random.normal(ks[3], (H, H), dtype=jnp.float32) * (1.0 / np.sqrt(H))
    inp['b2'] = jnp.zeros((H,), dtype=jnp.float32)
    inp['W3'] = jax.random.normal(ks[4], (H, 1), dtype=jnp.float32) * (1.0 / np.sqrt(H))
    inp['b3'] = jnp.zeros((1,), dtype=jnp.float32)
    # fresh nn.Linear(num_edges, num_nodes) created inside forward: weight [N, E]
    inp['Wlin'] = jax.random.uniform(ks[5], (N, E), dtype=jnp.float32, minval=-1.0, maxval=1.0) / np.sqrt(E)
    inp['blin'] = jax.random.uniform(ks[6], (N,), dtype=jnp.float32, minval=-1.0, maxval=1.0) / np.sqrt(E)
    # self.fc = nn.Linear(16, 1)
    inp['Wfc'] = jax.random.normal(ks[7], (1, H), dtype=jnp.float32) * (1.0 / np.sqrt(H))
    inp['bfc'] = jnp.zeros((1,), dtype=jnp.float32)
    return inp


def reference(edge_attr, edge_index, W1, b1, W2, b2, W3, b3, Wlin, blin, Wfc, bfc):
    src = edge_index[0]
    dst = edge_index[1]
    x = edge_attr.astype(jnp.float32)
    x = jax.nn.relu(gcn_conv(x, src, dst, W1, b1))
    x = jax.nn.relu(gcn_conv(x, src, dst, W2, b2))
    c = gcn_conv(x, src, dst, W3, b3)          # [E, 1]
    c = c.reshape(1, -1) @ Wlin.T + blin       # [1, N]
    c = jax.nn.relu(c.squeeze())               # [N]
    choice = jax.nn.softmax(c, axis=0)         # [N]
    # gap with batch=zeros(num_edges): global mean pool over all E rows of x
    v = jnp.mean(x, axis=0, keepdims=True)     # [1, 16]
    value = v @ Wfc.T + bfc                    # [1, 1]
    return choice, value

if __name__ == "__main__":
    import jax
    _d = setup_inputs()
    print(jax.jit(kernel)(*tuple(_d.values())))

</pallas_src>

<mosaic_0001>
#map = affine_map<(d0, d1) -> (0)>
#map1 = affine_map<(d0, d1) -> (0, 0)>
module attributes {stable_mosaic.version = 14 : i64} {
  func.func @_sc_kernel_body(%arg0: i32, %arg1: i32, %arg2: memref<32000xf32, #tpu.memory_space<hbm>>, %arg3: memref<16x2000xi32, #tpu.memory_space<hbm>>, %arg4: memref<16x2000xi32, #tpu.memory_space<hbm>>, %arg5: memref<16x16xf32, #tpu.memory_space<hbm>>, %arg6: memref<16x16xf32, #tpu.memory_space<hbm>>, %arg7: memref<16x16xf32, #tpu.memory_space<hbm>>, %arg8: memref<16x16xf32, #tpu.memory_space<hbm>>, %arg9: memref<32000xf32, #tpu.memory_space<hbm>>, %arg10: memref<16x256xf32, #tpu.memory_space<hbm>>, %arg11: memref<2000xi32, #tpu.memory_space<vmem>>, %arg12: memref<2000xi32, #tpu.memory_space<vmem>>, %arg13: memref<16x16xf32, #tpu.memory_space<vmem>>, %arg14: memref<16x16xf32, #tpu.memory_space<vmem>>, %arg15: memref<16x16xf32, #tpu.memory_space<vmem>>, %arg16: memref<16x16xf32, #tpu.memory_space<vmem>>, %arg17: memref<2000xf32, #tpu.memory_space<vmem>>, %arg18: memref<2000xf32, #tpu.memory_space<vmem>>, %arg19: memref<2000xf32, #tpu.memory_space<vmem>>, %arg20: memref<2000xf32, #tpu.memory_space<vmem>>, %arg21: memref<2000xf32, #tpu.memory_space<vmem>>, %arg22: memref<2000xf32, #tpu.memory_space<vmem>>, %arg23: memref<2000xf32, #tpu.memory_space<vmem>>, %arg24: memref<2000xf32, #tpu.memory_space<vmem>>, %arg25: memref<2000xf32, #tpu.memory_space<vmem>>, %arg26: memref<2000xf32, #tpu.memory_space<vmem>>, %arg27: memref<256xf32, #tpu.memory_space<vmem>>, %arg28: memref<32000xf32, #tpu.memory_space<vmem_shared>>, %arg29: memref<32000xf32, #tpu.memory_space<vmem_shared>>, %arg30: memref<32000xf32, #tpu.memory_space<vmem_shared>>) attributes {dimension_semantics = [#tpu.dimension_semantics<core_parallel>, #tpu.dimension_semantics<subcore_parallel>], iteration_bounds = array<i64: 1, 16>, scalar_prefetch = 0 : i64, scratch_operands = 20 : i64, tpu.core_type = #tpu.core_type<sc_vector_subcore>, window_params = [{transform_indices = #map}, {transform_indices = #map1}, {transform_indices = #map1}, {transform_indices = #map1}, {transform_indices = #map1}, {transform_indices = #map1}, {transform_indices = #map1}, {transform_indices = #map}, {transform_indices = #map1}]} {
    %mul3A = arith.constant 2000 : i32
    %mul3A_0 = arith.muli %arg1, %mul3A : i32
    %broadcast_in_dim3A = arith.constant 0.000000e+00 : f32
    %broadcast_in_dim3A_1 = vector.broadcast %broadcast_in_dim3A : f32 to vector<16xf32>
    %broadcast_in_dim3A_2 = arith.constant 1.000000e+00 : f32
    %broadcast_in_dim3A_3 = vector.broadcast %broadcast_in_dim3A_2 : f32 to vector<16xf32>
    "tpu.region"() ({
      %run_scoped3A = tpu.sem_alloc : memref<!tpu.dma_semaphore, #tpu.memory_space<semaphore_mem>>
      %dma_start3A = arith.constant 0 : i32
      %dma_start3A_98 = tpu.memref_slice %arg3[%arg1, %dma_start3A] : memref<16x2000xi32, #tpu.memory_space<hbm>> -> memref<1x2000xi32, #tpu.memory_space<hbm>>
      %dma_start3A_99 = tpu.memref_squeeze %dma_start3A_98 : memref<1x2000xi32, #tpu.memory_space<hbm>> -> memref<2000xi32, #tpu.memory_space<hbm>>
      %dma_start3A_100 = arith.constant 0 : i32
      %dma_start3A_101 = tpu.memref_slice %arg3[%arg1, %dma_start3A_100] : memref<16x2000xi32, #tpu.memory_space<hbm>> -> memref<1x2000xi32, #tpu.memory_space<hbm>>
      %dma_start3A_102 = tpu.memref_squeeze %dma_start3A_101 : memref<1x2000xi32, #tpu.memory_space<hbm>> -> memref<2000xi32, #tpu.memory_space<hbm>>
      tpu.enqueue_dma source(%dma_start3A_102 : memref<2000xi32, #tpu.memory_space<hbm>>) target(%arg11 : memref<2000xi32, #tpu.memory_space<vmem>>) target_semaphore(%run_scoped3A : memref<!tpu.dma_semaphore, #tpu.memory_space<semaphore_mem>>)
      %dma_wait3A = arith.constant 0 : i32
      %dma_wait3A_103 = tpu.memref_slice %arg3[%arg1, %dma_wait3A] : memref<16x2000xi32, #tpu.memory_space<hbm>> -> memref<1x2000xi32, #tpu.memory_space<hbm>>
      %dma_wait3A_104 = tpu.memref_squeeze %dma_wait3A_103 : memref<1x2000xi32, #tpu.memory_space<hbm>> -> memref<2000xi32, #tpu.memory_space<hbm>>
      %dma_wait3A_105 = arith.constant 0 : i32
      %dma_wait3A_106 = tpu.memref_slice %arg3[%arg1, %dma_wait3A_105] : memref<16x2000xi32, #tpu.memory_space<hbm>> -> memref<1x2000xi32, #tpu.memory_space<hbm>>
      %dma_wait3A_107 = tpu.memref_squeeze %dma_wait3A_106 : memref<1x2000xi32, #tpu.memory_space<hbm>> -> memref<2000xi32, #tpu.memory_space<hbm>>
      tpu.wait_dma2 semaphore(%run_scoped3A : memref<!tpu.dma_semaphore, #tpu.memory_space<semaphore_mem>>) src(%dma_wait3A_107 : memref<2000xi32, #tpu.memory_space<hbm>>) dst(%arg11 : memref<2000xi32, #tpu.memory_space<vmem>>)
      tpu.yield
    }) : () -> ()
    "tpu.region"() ({
      %run_scoped3A = tpu.sem_alloc : memref<!tpu.dma_semaphore, #tpu.memory_space<semaphore_mem>>
      %dma_start3A = arith.constant 0 : i32
      %dma_start3A_98 = tpu.memref_slice %arg4[%arg1, %dma_start3A] : memref<16x2000xi32, #tpu.memory_space<hbm>> -> memref<1x2000xi32, #tpu.memory_space<hbm>>
      %dma_start3A_99 = tpu.memref_squeeze %dma_start3A_98 : memref<1x2000xi32, #tpu.memory_space<hbm>> -> memref<2000xi32, #tpu.memory_space<hbm>>
      %dma_start3A_100 = arith.constant 0 : i32
      %dma_start3A_101 = tpu.memref_slice %arg4[%arg1, %dma_start3A_100] : memref<16x2000xi32, #tpu.memory_space<hbm>> -> memref<1x2000xi32, #tpu.memory_space<hbm>>
      %dma_start3A_102 = tpu.memref_squeeze %dma_start3A_101 : memref<1x2000xi32, #tpu.memory_space<hbm>> -> memref<2000xi32, #tpu.memory_space<hbm>>
      tpu.enqueue_dma source(%dma_start3A_102 : memref<2000xi32, #tpu.memory_space<hbm>>) target(%arg12 : memref<2000xi32, #tpu.memory_space<vmem>>) target_semaphore(%run_scoped3A : memref<!tpu.dma_semaphore, #tpu.memory_space<semaphore_mem>>)
      %dma_wait3A = arith.constant 0 : i32
      %dma_wait3A_103 = tpu.memref_slice %arg4[%arg1, %dma_wait3A] : memref<16x2000xi32, #tpu.memory_space<hbm>> -> memref<1x2000xi32, #tpu.memory_space<hbm>>
      %dma_wait3A_104 = tpu.memref_squeeze %dma_wait3A_103 : memref<1x2000xi32, #tpu.memory_space<hbm>> -> memref<2000xi32, #tpu.memory_space<hbm>>
      %dma_wait3A_105 = arith.constant 0 : i32
      %dma_wait3A_106 = tpu.memref_slice %arg4[%arg1, %dma_wait3A_105] : memref<16x2000xi32, #tpu.memory_space<hbm>> -> memref<1x2000xi32, #tpu.memory_space<hbm>>
      %dma_wait3A_107 = tpu.memref_squeeze %dma_wait3A_106 : memref<1x2000xi32, #tpu.memory_space<hbm>> -> memref<2000xi32, #tpu.memory_space<hbm>>
      tpu.wait_dma2 semaphore(%run_scoped3A : memref<!tpu.dma_semaphore, #tpu.memory_space<semaphore_mem>>) src(%dma_wait3A_107 : memref<2000xi32, #tpu.memory_space<hbm>>) dst(%arg12 : memref<2000xi32, #tpu.memory_space<vmem>>)
      tpu.yield
    }) : () -> ()
    "tpu.region"() ({
      %run_scoped3A = tpu.sem_alloc : memref<!tpu.dma_semaphore, #tpu.memory_space<semaphore_mem>>
      tpu.enqueue_dma source(%arg5 : memref<16x16xf32, #tpu.memory_space<hbm>>) target(%arg13 : memref<16x16xf32, #tpu.memory_space<vmem>>) target_semaphore(%run_scoped3A : memref<!tpu.dma_semaphore, #tpu.memory_space<semaphore_mem>>)
      tpu.wait_dma2 semaphore(%run_scoped3A : memref<!tpu.dma_semaphore, #tpu.memory_space<semaphore_mem>>) src(%arg5 : memref<16x16xf32, #tpu.memory_space<hbm>>) dst(%arg13 : memref<16x16xf32, #tpu.memory_space<vmem>>)
      tpu.yield
    }) : () -> ()
    "tpu.region"() ({
      %run_scoped3A = tpu.sem_alloc : memref<!tpu.dma_semaphore, #tpu.memory_space<semaphore_mem>>
      tpu.enqueue_dma source(%arg6 : memref<16x16xf32, #tpu.memory_space<hbm>>) target(%arg14 : memref<16x16xf32, #tpu.memory_space<vmem>>) target_semaphore(%run_scoped3A : memref<!tpu.dma_semaphore, #tpu.memory_space<semaphore_mem>>)
      tpu.wait_dma2 semaphore(%run_scoped3A : memref<!tpu.dma_semaphore, #tpu.memory_space<semaphore_mem>>) src(%arg6 : memref<16x16xf32, #tpu.memory_space<hbm>>) dst(%arg14 : memref<16x16xf32, #tpu.memory_space<vmem>>)
      tpu.yield
    }) : () -> ()
    "tpu.region"() ({
      %run_scoped3A = tpu.sem_alloc : memref<!tpu.dma_semaphore, #tpu.memory_space<semaphore_mem>>
      tpu.enqueue_dma source(%arg7 : memref<16x16xf32, #tpu.memory_space<hbm>>) target(%arg15 : memref<16x16xf32, #tpu.memory_space<vmem>>) target_semaphore(%run_scoped3A : memref<!tpu.dma_semaphore, #tpu.memory_space<semaphore_mem>>)
      tpu.wait_dma2 semaphore(%run_scoped3A : memref<!tpu.dma_semaphore, #tpu.memory_space<semaphore_mem>>) src(%arg7 : memref<16x16xf32, #tpu.memory_space<hbm>>) dst(%arg15 : memref<16x16xf32, #tpu.memory_space<vmem>>)
      tpu.yield
    }) : () -> ()
    "tpu.region"() ({
      %run_scoped3A = tpu.sem_alloc : memref<!tpu.dma_semaphore, #tpu.memory_space<semaphore_mem>>
      tpu.enqueue_dma source(%arg8 : memref<16x16xf32, #tpu.memory_space<hbm>>) target(%arg16 : memref<16x16xf32, #tpu.memory_space<vmem>>) target_semaphore(%run_scoped3A : memref<!tpu.dma_semaphore, #tpu.memory_space<semaphore_mem>>)
      tpu.wait_dma2 semaphore(%run_scoped3A : memref<!tpu.dma_semaphore, #tpu.memory_space<semaphore_mem>>) src(%arg8 : memref<16x16xf32, #tpu.memory_space<hbm>>) dst(%arg16 : memref<16x16xf32, #tpu.memory_space<vmem>>)
      tpu.yield
    }) : () -> ()
    %scan3A = arith.constant 0 : i32
    %scan3A_4 = arith.constant 0 : i32
    %scan3A_5 = arith.constant 125 : i32
    %scan3A_6 = arith.addi %scan3A_4, %scan3A_5 : i32
    %scan3A_7 = arith.constant 1 : i32
    %scan3A_8 = scf.for %scan3A_98 = %scan3A_4 to %scan3A_6 step %scan3A_7 iter_args(%scan3A_99 = %scan3A) -> (i32)  : i32 {
      %mul3A_100 = arith.constant 16 : i32
      %mul3A_101 = arith.muli %scan3A_98, %mul3A_100 : i32
      %swap3A = arith.index_cast %mul3A_101 : i32 to index
      %swap3A_102 = tpu.vector_load %arg20[%swap3A] {strides = array<i32>} : memref<2000xf32, #tpu.memory_space<vmem>>, vector<16xf32>,
      %swap3A_103 = vector.shape_cast %swap3A_102 : vector<16xf32> to vector<16xf32>
      %swap3A_104 = vector.shape_cast %broadcast_in_dim3A_3 : vector<16xf32> to vector<16xf32>
      tpu.vector_store %arg20[%swap3A], %swap3A_104 {strides = array<i32>} : memref<2000xf32, #tpu.memory_space<vmem>>, vector<16xf32>,
      %scan3A_105 = arith.constant 0 : i32
      scf.yield %scan3A_105 : i32
    }
    %scan3A_9 = arith.constant 125 : i32
    "tpu.region"() ({
      %run_scoped3A = tpu.sem_alloc : memref<!tpu.dma_semaphore, #tpu.memory_space<semaphore_mem>>
      %dma_start3A = tpu.memref_slice %arg28[%mul3A_0] : memref<32000xf32, #tpu.memory_space<vmem_shared>> -> memref<2000xf32, #tpu.memory_space<vmem_shared>>
      %dma_start3A_98 = tpu.memref_slice %arg28[%mul3A_0] : memref<32000xf32, #tpu.memory_space<vmem_shared>> -> memref<2000xf32, #tpu.memory_space<vmem_shared>>
      tpu.enqueue_dma source(%arg20 : memref<2000xf32, #tpu.memory_space<vmem>>) target(%dma_start3A_98 : memref<2000xf32, #tpu.memory_space<vmem_shared>>) target_semaphore(%run_scoped3A : memref<!tpu.dma_semaphore, #tpu.memory_space<semaphore_mem>>)
      %dma_wait3A = tpu.memref_slice %arg28[%mul3A_0] : memref<32000xf32, #tpu.memory_space<vmem_shared>> -> memref<2000xf32, #tpu.memory_space<vmem_shared>>
      %dma_wait3A_99 = tpu.memref_slice %arg28[%mul3A_0] : memref<32000xf32, #tpu.memory_space<vmem_shared>> -> memref<2000xf32, #tpu.memory_space<vmem_shared>>
      tpu.wait_dma2 semaphore(%run_scoped3A : memref<!tpu.dma_semaphore, #tpu.memory_space<semaphore_mem>>) src(%arg20 : memref<2000xf32, #tpu.memory_space<vmem>>) dst(%dma_wait3A_99 : memref<2000xf32, #tpu.memory_space<vmem_shared>>)
      tpu.yield
    }) : () -> ()
    %scan3A_10 = arith.constant 0 : i32
    %scan3A_11 = arith.constant 0 : i32
    %scan3A_12 = arith.constant 125 : i32
    %scan3A_13 = arith.addi %scan3A_11, %scan3A_12 : i32
    %scan3A_14 = arith.constant 1 : i32
    %scan3A_15 = scf.for %scan3A_98 = %scan3A_11 to %scan3A_13 step %scan3A_14 iter_args(%scan3A_99 = %scan3A_10) -> (i32)  : i32 {
      %mul3A_100 = arith.constant 16 : i32
      %mul3A_101 = arith.muli %scan3A_98, %mul3A_100 : i32
      %swap3A = arith.index_cast %mul3A_101 : i32 to index
      %swap3A_102 = tpu.vector_load %arg18[%swap3A] {strides = array<i32>} : memref<2000xf32, #tpu.memory_space<vmem>>, vector<16xf32>,
      %swap3A_103 = vector.shape_cast %swap3A_102 : vector<16xf32> to vector<16xf32>
      %swap3A_104 = vector.shape_cast %broadcast_in_dim3A_3 : vector<16xf32> to vector<16xf32>
      tpu.vector_store %arg18[%swap3A], %swap3A_104 {strides = array<i32>} : memref<2000xf32, #tpu.memory_space<vmem>>, vector<16xf32>,
      %scan3A_105 = arith.constant 0 : i32
      scf.yield %scan3A_105 : i32
    }
    %scan3A_16 = arith.constant 125 : i32
    %barrier3A = arith.constant 0 : index
    tpu.barrier barrier_id(%barrier3A)
    "tpu.region"() ({
      %run_scoped3A = tpu.sem_alloc : memref<!tpu.dma_semaphore, #tpu.memory_space<semaphore_mem>>
      %dma_start3A = arith.constant 0 : i32
      %dma_start3A_98 = tpu.memref_slice %arg28[%dma_start3A] : memref<32000xf32, #tpu.memory_space<vmem_shared>> -> memref<32000xf32, #tpu.memory_space<vmem_shared>>
      tpu.enqueue_indirect_dma source(%arg18 : memref<2000xf32, #tpu.memory_space<vmem>>) target(%dma_start3A_98 : memref<32000xf32, #tpu.memory_space<vmem_shared>>) offsets(%arg12 : memref<2000xi32, #tpu.memory_space<vmem>>) semaphore(%run_scoped3A : memref<!tpu.dma_semaphore, #tpu.memory_space<semaphore_mem>>) {add = true}
      %dma_wait3A = arith.constant 0 : i32
      %dma_wait3A_99 = tpu.memref_slice %arg28[%dma_wait3A] : memref<32000xf32, #tpu.memory_space<vmem_shared>> -> memref<32000xf32, #tpu.memory_space<vmem_shared>>
      tpu.wait_indirect_dma semaphore(%run_scoped3A : memref<!tpu.dma_semaphore, #tpu.memory_space<semaphore_mem>>) src(%arg18 : memref<2000xf32, #tpu.memory_space<vmem>>) dst(%dma_wait3A_99 : memref<32000xf32, #tpu.memory_space<vmem_shared>>)
      tpu.yield
    }) : () -> ()
    %barrier3A_17 = arith.constant 0 : index
    tpu.barrier barrier_id(%barrier3A_17)
    "tpu.region"() ({
      %run_scoped3A = tpu.sem_alloc : memref<!tpu.dma_semaphore, #tpu.memory_space<semaphore_mem>>
      %dma_start3A = tpu.memref_slice %arg28[%mul3A_0] : memref<32000xf32, #tpu.memory_space<vmem_shared>> -> memref<2000xf32, #tpu.memory_space<vmem_shared>>
      %dma_start3A_98 = tpu.memref_slice %arg28[%mul3A_0] : memref<32000xf32, #tpu.memory_space<vmem_shared>> -> memref<2000xf32, #tpu.memory_space<vmem_shared>>
      tpu.enqueue_dma source(%dma_start3A_98 : memref<2000xf32, #tpu.memory_space<vmem_shared>>) target(%arg22 : memref<2000xf32, #tpu.memory_space<vmem>>) target_semaphore(%run_scoped3A : memref<!tpu.dma_semaphore, #tpu.memory_space<semaphore_mem>>)
      %dma_wait3A = tpu.memref_slice %arg28[%mul3A_0] : memref<32000xf32, #tpu.memory_space<vmem_shared>> -> memref<2000xf32, #tpu.memory_space<vmem_shared>>
      %dma_wait3A_99 = tpu.memref_slice %arg28[%mul3A_0] : memref<32000xf32, #tpu.memory_space<vmem_shared>> -> memref<2000xf32, #tpu.memory_space<vmem_shared>>
      tpu.wait_dma2 semaphore(%run_scoped3A : memref<!tpu.dma_semaphore, #tpu.memory_space<semaphore_mem>>) src(%dma_wait3A_99 : memref<2000xf32, #tpu.memory_space<vmem_shared>>) dst(%arg22 : memref<2000xf32, #tpu.memory_space<vmem>>)
      tpu.yield
    }) : () -> ()
    %scan3A_18 = arith.constant 0 : i32
    %scan3A_19 = arith.constant 0 : i32
    %scan3A_20 = arith.constant 125 : i32
    %scan3A_21 = arith.addi %scan3A_19, %scan3A_20 : i32
    %scan3A_22 = arith.constant 1 : i32
    %scan3A_23 = scf.for %scan3A_98 = %scan3A_19 to %scan3A_21 step %scan3A_22 iter_args(%scan3A_99 = %scan3A_18) -> (i32)  : i32 {
      %mul3A_100 = arith.constant 16 : i32
      %mul3A_101 = arith.muli %scan3A_98, %mul3A_100 : i32
      %get3A = arith.index_cast %mul3A_101 : i32 to index
      %get3A_102 = tpu.vector_load %arg22[%get3A] {strides = array<i32>} : memref<2000xf32, #tpu.memory_space<vmem>>, vector<16xf32>,
      %get3A_103 = vector.shape_cast %get3A_102 : vector<16xf32> to vector<16xf32>
      %broadcast_in_dim3A_104 = arith.constant 3.906250e-03 : f32
      %broadcast_in_dim3A_105 = vector.broadcast %broadcast_in_dim3A_104 : f32 to vector<16xf32>
      %lt3A = arith.constant 1.638400e+04 : f32
      %lt3A_106 = vector.broadcast %lt3A : f32 to vector<16xf32>
      %lt3A_107 = arith.cmpf olt, %get3A_103, %lt3A_106 : vector<16xf32>
      %jit3A = arith.constant 7.812500e-03 : f32
      %broadcast_in_dim3A_108 = vector.broadcast %jit3A : f32 to vector<16xf32>
      %select_n3A = arith.select %lt3A_107, %broadcast_in_dim3A_108, %broadcast_in_dim3A_105 : vector<16xi1>, vector<16xf32>
      %lt3A_109 = arith.constant 4.096000e+03 : f32
      %lt3A_110 = vector.broadcast %lt3A_109 : f32 to vector<16xf32>
      %lt3A_111 = arith.cmpf olt, %get3A_103, %lt3A_110 : vector<16xf32>
      %jit3A_112 = arith.constant 1.562500e-02 : f32
      %broadcast_in_dim3A_113 = vector.broadcast %jit3A_112 : f32 to vector<16xf32>
      %select_n3A_114 = arith.select %lt3A_111, %broadcast_in_dim3A_113, %select_n3A : vector<16xi1>, vector<16xf32>
      %lt3A_115 = arith.constant 1.024000e+03 : f32
      %lt3A_116 = vector.broadcast %lt3A_115 : f32 to vector<16xf32>
      %lt3A_117 = arith.cmpf olt, %get3A_103, %lt3A_116 : vector<16xf32>
      %jit3A_118 = arith.constant 3.125000e-02 : f32
      %broadcast_in_dim3A_119 = vector.broadcast %jit3A_118 : f32 to vector<16xf32>
      %select_n3A_120 = arith.select %lt3A_117, %broadcast_in_dim3A_119, %select_n3A_114 : vector<16xi1>, vector<16xf32>
      %lt3A_121 = arith.constant 2.560000e+02 : f32
      %lt3A_122 = vector.broadcast %lt3A_121 : f32 to vector<16xf32>
      %lt3A_123 = arith.cmpf olt, %get3A_103, %lt3A_122 : vector<16xf32>
      %jit3A_124 = arith.constant 6.250000e-02 : f32
      %broadcast_in_dim3A_125 = vector.broadcast %jit3A_124 : f32 to vector<16xf32>
      %select_n3A_126 = arith.select %lt3A_123, %broadcast_in_dim3A_125, %select_n3A_120 : vector<16xi1>, vector<16xf32>
      %lt3A_127 = arith.constant 6.400000e+01 : f32
      %lt3A_128 = vector.broadcast %lt3A_127 : f32 to vector<16xf32>
      %lt3A_129 = arith.cmpf olt, %get3A_103, %lt3A_128 : vector<16xf32>
      %jit3A_130 = arith.constant 1.250000e-01 : f32
      %broadcast_in_dim3A_131 = vector.broadcast %jit3A_130 : f32 to vector<16xf32>
      %select_n3A_132 = arith.select %lt3A_129, %broadcast_in_dim3A_131, %select_n3A_126 : vector<16xi1>, vector<16xf32>
      %lt3A_133 = arith.constant 1.600000e+01 : f32
      %lt3A_134 = vector.broadcast %lt3A_133 : f32 to vector<16xf32>
      %lt3A_135 = arith.cmpf olt, %get3A_103, %lt3A_134 : vector<16xf32>
      %jit3A_136 = arith.constant 2.500000e-01 : f32
      %broadcast_in_dim3A_137 = vector.broadcast %jit3A_136 : f32 to vector<16xf32>
      %select_n3A_138 = arith.select %lt3A_135, %broadcast_in_dim3A_137, %select_n3A_132 : vector<16xi1>, vector<16xf32>
      %lt3A_139 = arith.constant 4.000000e+00 : f32
      %lt3A_140 = vector.broadcast %lt3A_139 : f32 to vector<16xf32>
      %lt3A_141 = arith.cmpf olt, %get3A_103, %lt3A_140 : vector<16xf32>
      %jit3A_142 = arith.constant 5.000000e-01 : f32
      %broadcast_in_dim3A_143 = vector.broadcast %jit3A_142 : f32 to vector<16xf32>
      %select_n3A_144 = arith.select %lt3A_141, %broadcast_in_dim3A_143, %select_n3A_138 : vector<16xi1>, vector<16xf32>
      %mul3A_145 = arith.constant 5.000000e-01 : f32
      %mul3A_146 = vector.broadcast %mul3A_145 : f32 to vector<16xf32>
      %mul3A_147 = arith.mulf %mul3A_146, %get3A_103 : vector<16xf32>
      %mul3A_148 = arith.mulf %mul3A_147, %select_n3A_144 : vector<16xf32>
      %mul3A_149 = arith.mulf %mul3A_148, %select_n3A_144 : vector<16xf32>
      %sub3A = arith.constant 1.500000e+00 : f32
      %sub3A_150 = vector.broadcast %sub3A : f32 to vector<16xf32>
      %sub3A_151 = arith.subf %sub3A_150, %mul3A_149 : vector<16xf32>
      %mul3A_152 = arith.mulf %select_n3A_144, %sub3A_151 : vector<16xf32>
      %mul3A_153 = arith.constant 5.000000e-01 : f32
      %mul3A_154 = vector.broadcast %mul3A_153 : f32 to vector<16xf32>
      %mul3A_155 = arith.mulf %mul3A_154, %get3A_103 : vector<16xf32>
      %mul3A_156 = arith.mulf %mul3A_155, %mul3A_152 : vector<16xf32>
      %mul3A_157 = arith.mulf %mul3A_156, %mul3A_152 : vector<16xf32>
      %sub3A_158 = arith.constant 1.500000e+00 : f32
      %sub3A_159 = vector.broadcast %sub3A_158 : f32 to vector<16xf32>
      %sub3A_160 = arith.subf %sub3A_159, %mul3A_157 : vector<16xf32>
      %mul3A_161 = arith.mulf %mul3A_152, %sub3A_160 : vector<16xf32>
      %mul3A_162 = arith.constant 5.000000e-01 : f32
      %mul3A_163 = vector.broadcast %mul3A_162 : f32 to vector<16xf32>
      %mul3A_164 = arith.mulf %mul3A_163, %get3A_103 : vector<16xf32>
      %mul3A_165 = arith.mulf %mul3A_164, %mul3A_161 : vector<16xf32>
      %mul3A_166 = arith.mulf %mul3A_165, %mul3A_161 : vector<16xf32>
      %sub3A_167 = arith.constant 1.500000e+00 : f32
      %sub3A_168 = vector.broadcast %sub3A_167 : f32 to vector<16xf32>
      %sub3A_169 = arith.subf %sub3A_168, %mul3A_166 : vector<16xf32>
      %mul3A_170 = arith.mulf %mul3A_161, %sub3A_169 : vector<16xf32>
      %mul3A_171 = arith.constant 5.000000e-01 : f32
      %mul3A_172 = vector.broadcast %mul3A_171 : f32 to vector<16xf32>
      %mul3A_173 = arith.mulf %mul3A_172, %get3A_103 : vector<16xf32>
      %mul3A_174 = arith.mulf %mul3A_173, %mul3A_170 : vector<16xf32>
      %mul3A_175 = arith.mulf %mul3A_174, %mul3A_170 : vector<16xf32>
      %sub3A_176 = arith.constant 1.500000e+00 : f32
      %sub3A_177 = vector.broadcast %sub3A_176 : f32 to vector<16xf32>
      %sub3A_178 = arith.subf %sub3A_177, %mul3A_175 : vector<16xf32>
      %mul3A_179 = arith.mulf %mul3A_170, %sub3A_178 : vector<16xf32>
      %mul3A_180 = arith.constant 5.000000e-01 : f32
      %mul3A_181 = vector.broadcast %mul3A_180 : f32 to vector<16xf32>
      %mul3A_182 = arith.mulf %mul3A_181, %get3A_103 : vector<16xf32>
      %mul3A_183 = arith.mulf %mul3A_182, %mul3A_179 : vector<16xf32>
      %mul3A_184 = arith.mulf %mul3A_183, %mul3A_179 : vector<16xf32>
      %sub3A_185 = arith.constant 1.500000e+00 : f32
      %sub3A_186 = vector.broadcast %sub3A_185 : f32 to vector<16xf32>
      %sub3A_187 = arith.subf %sub3A_186, %mul3A_184 : vector<16xf32>
      %mul3A_188 = arith.mulf %mul3A_179, %sub3A_187 : vector<16xf32>
      %mul3A_189 = arith.constant 16 : i32
      %mul3A_190 = arith.muli %scan3A_98, %mul3A_189 : i32
      %swap3A = arith.index_cast %mul3A_190 : i32 to index
      %swap3A_191 = tpu.vector_load %arg25[%swap3A] {strides = array<i32>} : memref<2000xf32, #tpu.memory_space<vmem>>, vector<16xf32>,
      %swap3A_192 = vector.shape_cast %swap3A_191 : vector<16xf32> to vector<16xf32>
      %swap3A_193 = vector.shape_cast %mul3A_188 : vector<16xf32> to vector<16xf32>
      tpu.vector_store %arg25[%swap3A], %swap3A_193 {strides = array<i32>} : memref<2000xf32, #tpu.memory_space<vmem>>, vector<16xf32>,
      %div3A = arith.divf %broadcast_in_dim3A_3, %get3A_103 : vector<16xf32>
      %mul3A_194 = arith.constant 16 : i32
      %mul3A_195 = arith.muli %scan3A_98, %mul3A_194 : i32
      %swap3A_196 = arith.index_cast %mul3A_195 : i32 to index
      %swap3A_197 = tpu.vector_load %arg21[%swap3A_196] {strides = array<i32>} : memref<2000xf32, #tpu.memory_space<vmem>>, vector<16xf32>,
      %swap3A_198 = vector.shape_cast %swap3A_197 : vector<16xf32> to vector<16xf32>
      %swap3A_199 = vector.shape_cast %div3A : vector<16xf32> to vector<16xf32>
      tpu.vector_store %arg21[%swap3A_196], %swap3A_199 {strides = array<i32>} : memref<2000xf32, #tpu.memory_space<vmem>>, vector<16xf32>,
      %scan3A_200 = arith.constant 0 : i32
      scf.yield %scan3A_200 : i32
    }
    %scan3A_24 = arith.constant 125 : i32
    "tpu.region"() ({
      %run_scoped3A = tpu.sem_alloc : memref<!tpu.dma_semaphore, #tpu.memory_space<semaphore_mem>>
      %dma_start3A = tpu.memref_slice %arg30[%mul3A_0] : memref<32000xf32, #tpu.memory_space<vmem_shared>> -> memref<2000xf32, #tpu.memory_space<vmem_shared>>
      %dma_start3A_98 = tpu.memref_slice %arg30[%mul3A_0] : memref<32000xf32, #tpu.memory_space<vmem_shared>> -> memref<2000xf32, #tpu.memory_space<vmem_shared>>
      tpu.enqueue_dma source(%arg25 : memref<2000xf32, #tpu.memory_space<vmem>>) target(%dma_start3A_98 : memref<2000xf32, #tpu.memory_space<vmem_shared>>) target_semaphore(%run_scoped3A : memref<!tpu.dma_semaphore, #tpu.memory_space<semaphore_mem>>)
      %dma_wait3A = tpu.memref_slice %arg30[%mul3A_0] : memref<32000xf32, #tpu.memory_space<vmem_shared>> -> memref<2000xf32, #tpu.memory_space<vmem_shared>>
      %dma_wait3A_99 = tpu.memref_slice %arg30[%mul3A_0] : memref<32000xf32, #tpu.memory_space<vmem_shared>> -> memref<2000xf32, #tpu.memory_space<vmem_shared>>
      tpu.wait_dma2 semaphore(%run_scoped3A : memref<!tpu.dma_semaphore, #tpu.memory_space<semaphore_mem>>) src(%arg25 : memref<2000xf32, #tpu.memory_space<vmem>>) dst(%dma_wait3A_99 : memref<2000xf32, #tpu.memory_space<vmem_shared>>)
      tpu.yield
    }) : () -> ()
    %barrier3A_25 = arith.constant 0 : index
    tpu.barrier barrier_id(%barrier3A_25)
    "tpu.region"() ({
      %run_scoped3A = tpu.sem_alloc : memref<!tpu.dma_semaphore, #tpu.memory_space<semaphore_mem>>
      %dma_start3A = arith.constant 0 : i32
      %dma_start3A_98 = tpu.memref_slice %arg30[%dma_start3A] : memref<32000xf32, #tpu.memory_space<vmem_shared>> -> memref<32000xf32, #tpu.memory_space<vmem_shared>>
      tpu.enqueue_indirect_dma source(%dma_start3A_98 : memref<32000xf32, #tpu.memory_space<vmem_shared>>) target(%arg17 : memref<2000xf32, #tpu.memory_space<vmem>>) offsets(%arg11 : memref<2000xi32, #tpu.memory_space<vmem>>) semaphore(%run_scoped3A : memref<!tpu.dma_semaphore, #tpu.memory_space<semaphore_mem>>)
      %dma_wait3A = arith.constant 0 : i32
      %dma_wait3A_99 = tpu.memref_slice %arg30[%dma_wait3A] : memref<32000xf32, #tpu.memory_space<vmem_shared>> -> memref<32000xf32, #tpu.memory_space<vmem_shared>>
      tpu.wait_indirect_dma semaphore(%run_scoped3A : memref<!tpu.dma_semaphore, #tpu.memory_space<semaphore_mem>>) src(%dma_wait3A_99 : memref<32000xf32, #tpu.memory_space<vmem_shared>>) dst(%arg17 : memref<2000xf32, #tpu.memory_space<vmem>>)
      tpu.yield
    }) : () -> ()
    "tpu.region"() ({
      %run_scoped3A = tpu.sem_alloc : memref<!tpu.dma_semaphore, #tpu.memory_space<semaphore_mem>>
      %dma_start3A = arith.constant 0 : i32
      %dma_start3A_98 = tpu.memref_slice %arg30[%dma_start3A] : memref<32000xf32, #tpu.memory_space<vmem_shared>> -> memref<32000xf32, #tpu.memory_space<vmem_shared>>
      tpu.enqueue_indirect_dma source(%dma_start3A_98 : memref<32000xf32, #tpu.memory_space<vmem_shared>>) target(%arg18 : memref<2000xf32, #tpu.memory_space<vmem>>) offsets(%arg12 : memref<2000xi32, #tpu.memory_space<vmem>>) semaphore(%run_scoped3A : memref<!tpu.dma_semaphore, #tpu.memory_space<semaphore_mem>>)
      %dma_wait3A = arith.constant 0 : i32
      %dma_wait3A_99 = tpu.memref_slice %arg30[%dma_wait3A] : memref<32000xf32, #tpu.memory_space<vmem_shared>> -> memref<32000xf32, #tpu.memory_space<vmem_shared>>
      tpu.wait_indirect_dma semaphore(%run_scoped3A : memref<!tpu.dma_semaphore, #tpu.memory_space<semaphore_mem>>) src(%dma_wait3A_99 : memref<32000xf32, #tpu.memory_space<vmem_shared>>) dst(%arg18 : memref<2000xf32, #tpu.memory_space<vmem>>)
      tpu.yield
    }) : () -> ()
    %scan3A_26 = arith.constant 0 : i32
    %scan3A_27 = arith.constant 0 : i32
    %scan3A_28 = arith.constant 125 : i32
    %scan3A_29 = arith.addi %scan3A_27, %scan3A_28 : i32
    %scan3A_30 = arith.constant 1 : i32
    %scan3A_31 = scf.for %scan3A_98 = %scan3A_27 to %scan3A_29 step %scan3A_30 iter_args(%scan3A_99 = %scan3A_26) -> (i32)  : i32 {
      %mul3A_100 = arith.constant 16 : i32
      %mul3A_101 = arith.muli %scan3A_98, %mul3A_100 : i32
      %mul3A_102 = arith.constant 16 : i32
      %mul3A_103 = arith.muli %scan3A_98, %mul3A_102 : i32
      %get3A = arith.index_cast %mul3A_103 : i32 to index
      %get3A_104 = tpu.vector_load %arg17[%get3A] {strides = array<i32>} : memref<2000xf32, #tpu.memory_space<vmem>>, vector<16xf32>,
      %get3A_105 = vector.shape_cast %get3A_104 : vector<16xf32> to vector<16xf32>
      %mul3A_106 = arith.constant 16 : i32
      %mul3A_107 = arith.muli %scan3A_98, %mul3A_106 : i32
      %get3A_108 = arith.index_cast %mul3A_107 : i32 to index
      %get3A_109 = tpu.vector_load %arg18[%get3A_108] {strides = array<i32>} : memref<2000xf32, #tpu.memory_space<vmem>>, vector<16xf32>,
      %get3A_110 = vector.shape_cast %get3A_109 : vector<16xf32> to vector<16xf32>
      %mul3A_111 = arith.mulf %get3A_105, %get3A_110 : vector<16xf32>
      %swap3A = arith.index_cast %mul3A_101 : i32 to index
      %swap3A_112 = tpu.vector_load %arg19[%swap3A] {strides = array<i32>} : memref<2000xf32, #tpu.memory_space<vmem>>, vector<16xf32>,
      %swap3A_113 = vector.shape_cast %swap3A_112 : vector<16xf32> to vector<16xf32>
      %swap3A_114 = vector.shape_cast %mul3A_111 : vector<16xf32> to vector<16xf32>
      tpu.vector_store %arg19[%swap3A], %swap3A_114 {strides = array<i32>} : memref<2000xf32, #tpu.memory_space<vmem>>, vector<16xf32>,
      %scan3A_115 = arith.constant 0 : i32
      scf.yield %scan3A_115 : i32
    }
    %scan3A_32 = arith.constant 125 : i32
    "tpu.region"() ({
      %run_scoped3A = tpu.sem_alloc : memref<!tpu.dma_semaphore, #tpu.memory_space<semaphore_mem>>
      %dma_start3A = tpu.memref_slice %arg2[%mul3A_0] : memref<32000xf32, #tpu.memory_space<hbm>> -> memref<2000xf32, #tpu.memory_space<hbm>>
      %dma_start3A_98 = tpu.memref_slice %arg2[%mul3A_0] : memref<32000xf32, #tpu.memory_space<hbm>> -> memref<2000xf32, #tpu.memory_space<hbm>>
      tpu.enqueue_dma source(%dma_start3A_98 : memref<2000xf32, #tpu.memory_space<hbm>>) target(%arg25 : memref<2000xf32, #tpu.memory_space<vmem>>) target_semaphore(%run_scoped3A : memref<!tpu.dma_semaphore, #tpu.memory_space<semaphore_mem>>)
      %dma_wait3A = tpu.memref_slice %arg2[%mul3A_0] : memref<32000xf32, #tpu.memory_space<hbm>> -> memref<2000xf32, #tpu.memory_space<hbm>>
      %dma_wait3A_99 = tpu.memref_slice %arg2[%mul3A_0] : memref<32000xf32, #tpu.memory_space<hbm>> -> memref<2000xf32, #tpu.memory_space<hbm>>
      tpu.wait_dma2 semaphore(%run_scoped3A : memref<!tpu.dma_semaphore, #tpu.memory_space<semaphore_mem>>) src(%dma_wait3A_99 : memref<2000xf32, #tpu.memory_space<hbm>>) dst(%arg25 : memref<2000xf32, #tpu.memory_space<vmem>>)
      tpu.yield
    }) : () -> ()
    %barrier3A_33 = arith.constant 0 : index
    tpu.barrier barrier_id(%barrier3A_33)
    "tpu.region"() ({
      %run_scoped3A = tpu.sem_alloc : memref<!tpu.dma_semaphore, #tpu.memory_space<semaphore_mem>>
      %dma_start3A = tpu.memref_slice %arg30[%mul3A_0] : memref<32000xf32, #tpu.memory_space<vmem_shared>> -> memref<2000xf32, #tpu.memory_space<vmem_shared>>
      %dma_start3A_98 = tpu.memref_slice %arg30[%mul3A_0] : memref<32000xf32, #tpu.memory_space<vmem_shared>> -> memref<2000xf32, #tpu.memory_space<vmem_shared>>
      tpu.enqueue_dma source(%arg25 : memref<2000xf32, #tpu.memory_space<vmem>>) target(%dma_start3A_98 : memref<2000xf32, #tpu.memory_space<vmem_shared>>) target_semaphore(%run_scoped3A : memref<!tpu.dma_semaphore, #tpu.memory_space<semaphore_mem>>)
      %dma_wait3A = tpu.memref_slice %arg30[%mul3A_0] : memref<32000xf32, #tpu.memory_space<vmem_shared>> -> memref<2000xf32, #tpu.memory_space<vmem_shared>>
      %dma_wait3A_99 = tpu.memref_slice %arg30[%mul3A_0] : memref<32000xf32, #tpu.memory_space<vmem_shared>> -> memref<2000xf32, #tpu.memory_space<vmem_shared>>
      tpu.wait_dma2 semaphore(%run_scoped3A : memref<!tpu.dma_semaphore, #tpu.memory_space<semaphore_mem>>) src(%arg25 : memref<2000xf32, #tpu.memory_space<vmem>>) dst(%dma_wait3A_99 : memref<2000xf32, #tpu.memory_space<vmem_shared>>)
      tpu.yield
    }) : () -> ()
    %scan3A_34 = arith.constant 0 : i32
    %scan3A_35 = arith.constant 0 : i32
    %scan3A_36 = arith.constant 125 : i32
    %scan3A_37 = arith.addi %scan3A_35, %scan3A_36 : i32
    %scan3A_38 = arith.constant 1 : i32
    %scan3A_39 = scf.for %scan3A_98 = %scan3A_35 to %scan3A_37 step %scan3A_38 iter_args(%scan3A_99 = %scan3A_34) -> (i32)  : i32 {
      %mul3A_100 = arith.constant 16 : i32
      %mul3A_101 = arith.muli %scan3A_98, %mul3A_100 : i32
      %mul3A_102 = arith.constant 16 : i32
      %mul3A_103 = arith.muli %scan3A_98, %mul3A_102 : i32
      %get3A = arith.index_cast %mul3A_103 : i32 to index
      %get3A_104 = tpu.vector_load %arg21[%get3A] {strides = array<i32>} : memref<2000xf32, #tpu.memory_space<vmem>>, vector<16xf32>,
      %get3A_105 = vector.shape_cast %get3A_104 : vector<16xf32> to vector<16xf32>
      %mul3A_106 = arith.constant 16 : i32
      %mul3A_107 = arith.muli %scan3A_98, %mul3A_106 : i32
      %get3A_108 = arith.index_cast %mul3A_107 : i32 to index
      %get3A_109 = tpu.vector_load %arg25[%get3A_108] {strides = array<i32>} : memref<2000xf32, #tpu.memory_space<vmem>>, vector<16xf32>,
      %get3A_110 = vector.shape_cast %get3A_109 : vector<16xf32> to vector<16xf32>
      %mul3A_111 = arith.mulf %get3A_105, %get3A_110 : vector<16xf32>
      %swap3A = arith.index_cast %mul3A_101 : i32 to index
      %swap3A_112 = tpu.vector_load %arg20[%swap3A] {strides = array<i32>} : memref<2000xf32, #tpu.memory_space<vmem>>, vector<16xf32>,
      %swap3A_113 = vector.shape_cast %swap3A_112 : vector<16xf32> to vector<16xf32>
      %swap3A_114 = vector.shape_cast %mul3A_111 : vector<16xf32> to vector<16xf32>
      tpu.vector_store %arg20[%swap3A], %swap3A_114 {strides = array<i32>} : memref<2000xf32, #tpu.memory_space<vmem>>, vector<16xf32>,
      %scan3A_115 = arith.constant 0 : i32
      scf.yield %scan3A_115 : i32
    }
    %scan3A_40 = arith.constant 125 : i32
    "tpu.region"() ({
      %run_scoped3A = tpu.sem_alloc : memref<!tpu.dma_semaphore, #tpu.memory_space<semaphore_mem>>
      %dma_start3A = tpu.memref_slice %arg28[%mul3A_0] : memref<32000xf32, #tpu.memory_space<vmem_shared>> -> memref<2000xf32, #tpu.memory_space<vmem_shared>>
      %dma_start3A_98 = tpu.memref_slice %arg28[%mul3A_0] : memref<32000xf32, #tpu.memory_space<vmem_shared>> -> memref<2000xf32, #tpu.memory_space<vmem_shared>>
      tpu.enqueue_dma source(%arg20 : memref<2000xf32, #tpu.memory_space<vmem>>) target(%dma_start3A_98 : memref<2000xf32, #tpu.memory_space<vmem_shared>>) target_semaphore(%run_scoped3A : memref<!tpu.dma_semaphore, #tpu.memory_space<semaphore_mem>>)
      %dma_wait3A = tpu.memref_slice %arg28[%mul3A_0] : memref<32000xf32, #tpu.memory_space<vmem_shared>> -> memref<2000xf32, #tpu.memory_space<vmem_shared>>
      %dma_wait3A_99 = tpu.memref_slice %arg28[%mul3A_0] : memref<32000xf32, #tpu.memory_space<vmem_shared>> -> memref<2000xf32, #tpu.memory_space<vmem_shared>>
      tpu.wait_dma2 semaphore(%run_scoped3A : memref<!tpu.dma_semaphore, #tpu.memory_space<semaphore_mem>>) src(%arg20 : memref<2000xf32, #tpu.memory_space<vmem>>) dst(%dma_wait3A_99 : memref<2000xf32, #tpu.memory_space<vmem_shared>>)
      tpu.yield
    }) : () -> ()
    %barrier3A_41 = arith.constant 0 : index
    tpu.barrier barrier_id(%barrier3A_41)
    "tpu.region"() ({
      %run_scoped3A = tpu.sem_alloc : memref<!tpu.dma_semaphore, #tpu.memory_space<semaphore_mem>>
      %dma_start3A = arith.constant 0 : i32
      %dma_start3A_98 = tpu.memref_slice %arg30[%dma_start3A] : memref<32000xf32, #tpu.memory_space<vmem_shared>> -> memref<32000xf32, #tpu.memory_space<vmem_shared>>
      tpu.enqueue_indirect_dma source(%dma_start3A_98 : memref<32000xf32, #tpu.memory_space<vmem_shared>>) target(%arg17 : memref<2000xf32, #tpu.memory_space<vmem>>) offsets(%arg11 : memref<2000xi32, #tpu.memory_space<vmem>>) semaphore(%run_scoped3A : memref<!tpu.dma_semaphore, #tpu.memory_space<semaphore_mem>>)
      %dma_wait3A = arith.constant 0 : i32
      %dma_wait3A_99 = tpu.memref_slice %arg30[%dma_wait3A] : memref<32000xf32, #tpu.memory_space<vmem_shared>> -> memref<32000xf32, #tpu.memory_space<vmem_shared>>
      tpu.wait_indirect_dma semaphore(%run_scoped3A : memref<!tpu.dma_semaphore, #tpu.memory_space<semaphore_mem>>) src(%dma_wait3A_99 : memref<32000xf32, #tpu.memory_space<vmem_shared>>) dst(%arg17 : memref<2000xf32, #tpu.memory_space<vmem>>)
      tpu.yield
    }) : () -> ()
    %scan3A_42 = arith.constant 0 : i32
    %scan3A_43 = arith.constant 0 : i32
    %scan3A_44 = arith.constant 125 : i32
    %scan3A_45 = arith.addi %scan3A_43, %scan3A_44 : i32
    %scan3A_46 = arith.constant 1 : i32
    %scan3A_47 = scf.for %scan3A_98 = %scan3A_43 to %scan3A_45 step %scan3A_46 iter_args(%scan3A_99 = %scan3A_42) -> (i32)  : i32 {
      %mul3A_100 = arith.constant 16 : i32
      %mul3A_101 = arith.muli %scan3A_98, %mul3A_100 : i32
      %mul3A_102 = arith.constant 16 : i32
      %mul3A_103 = arith.muli %scan3A_98, %mul3A_102 : i32
      %get3A = arith.index_cast %mul3A_103 : i32 to index
      %get3A_104 = tpu.vector_load %arg17[%get3A] {strides = array<i32>} : memref<2000xf32, #tpu.memory_space<vmem>>, vector<16xf32>,
      %get3A_105 = vector.shape_cast %get3A_104 : vector<16xf32> to vector<16xf32>
      %mul3A_106 = arith.constant 16 : i32
      %mul3A_107 = arith.muli %scan3A_98, %mul3A_106 : i32
      %get3A_108 = arith.index_cast %mul3A_107 : i32 to index
      %get3A_109 = tpu.vector_load %arg19[%get3A_108] {strides = array<i32>} : memref<2000xf32, #tpu.memory_space<vmem>>, vector<16xf32>,
      %get3A_110 = vector.shape_cast %get3A_109 : vector<16xf32> to vector<16xf32>
      %mul3A_111 = arith.mulf %get3A_105, %get3A_110 : vector<16xf32>
      %swap3A = arith.index_cast %mul3A_101 : i32 to index
      %swap3A_112 = tpu.vector_load %arg18[%swap3A] {strides = array<i32>} : memref<2000xf32, #tpu.memory_space<vmem>>, vector<16xf32>,
      %swap3A_113 = vector.shape_cast %swap3A_112 : vector<16xf32> to vector<16xf32>
      %swap3A_114 = vector.shape_cast %mul3A_111 : vector<16xf32> to vector<16xf32>
      tpu.vector_store %arg18[%swap3A], %swap3A_114 {strides = array<i32>} : memref<2000xf32, #tpu.memory_space<vmem>>, vector<16xf32>,
      %scan3A_115 = arith.constant 0 : i32
      scf.yield %scan3A_115 : i32
    }
    %scan3A_48 = arith.constant 125 : i32
    "tpu.region"() ({
      %run_scoped3A = tpu.sem_alloc : memref<!tpu.dma_semaphore, #tpu.memory_space<semaphore_mem>>
      %dma_start3A = arith.constant 0 : i32
      %dma_start3A_98 = tpu.memref_slice %arg28[%dma_start3A] : memref<32000xf32, #tpu.memory_space<vmem_shared>> -> memref<32000xf32, #tpu.memory_space<vmem_shared>>
      tpu.enqueue_indirect_dma source(%arg18 : memref<2000xf32, #tpu.memory_space<vmem>>) target(%dma_start3A_98 : memref<32000xf32, #tpu.memory_space<vmem_shared>>) offsets(%arg12 : memref<2000xi32, #tpu.memory_space<vmem>>) semaphore(%run_scoped3A : memref<!tpu.dma_semaphore, #tpu.memory_space<semaphore_mem>>) {add = true}
      %dma_wait3A = arith.constant 0 : i32
      %dma_wait3A_99 = tpu.memref_slice %arg28[%dma_wait3A] : memref<32000xf32, #tpu.memory_space<vmem_shared>> -> memref<32000xf32, #tpu.memory_space<vmem_shared>>
      tpu.wait_indirect_dma semaphore(%run_scoped3A : memref<!tpu.dma_semaphore, #tpu.memory_space<semaphore_mem>>) src(%arg18 : memref<2000xf32, #tpu.memory_space<vmem>>) dst(%dma_wait3A_99 : memref<32000xf32, #tpu.memory_space<vmem_shared>>)
      tpu.yield
    }) : () -> ()
    %barrier3A_49 = arith.constant 0 : index
    tpu.barrier barrier_id(%barrier3A_49)
    "tpu.region"() ({
      %run_scoped3A = tpu.sem_alloc : memref<!tpu.dma_semaphore, #tpu.memory_space<semaphore_mem>>
      %dma_start3A = tpu.memref_slice %arg28[%mul3A_0] : memref<32000xf32, #tpu.memory_space<vmem_shared>> -> memref<2000xf32, #tpu.memory_space<vmem_shared>>
      %dma_start3A_98 = tpu.memref_slice %arg28[%mul3A_0] : memref<32000xf32, #tpu.memory_space<vmem_shared>> -> memref<2000xf32, #tpu.memory_space<vmem_shared>>
      tpu.enqueue_dma source(%dma_start3A_98 : memref<2000xf32, #tpu.memory_space<vmem_shared>>) target(%arg22 : memref<2000xf32, #tpu.memory_space<vmem>>) target_semaphore(%run_scoped3A : memref<!tpu.dma_semaphore, #tpu.memory_space<semaphore_mem>>)
      %dma_wait3A = tpu.memref_slice %arg28[%mul3A_0] : memref<32000xf32, #tpu.memory_space<vmem_shared>> -> memref<2000xf32, #tpu.memory_space<vmem_shared>>
      %dma_wait3A_99 = tpu.memref_slice %arg28[%mul3A_0] : memref<32000xf32, #tpu.memory_space<vmem_shared>> -> memref<2000xf32, #tpu.memory_space<vmem_shared>>
      tpu.wait_dma2 semaphore(%run_scoped3A : memref<!tpu.dma_semaphore, #tpu.memory_space<semaphore_mem>>) src(%dma_wait3A_99 : memref<2000xf32, #tpu.memory_space<vmem_shared>>) dst(%arg22 : memref<2000xf32, #tpu.memory_space<vmem>>)
      tpu.yield
    }) : () -> ()
    %barrier3A_50 = arith.constant 0 : index
    tpu.barrier barrier_id(%barrier3A_50)
    "tpu.region"() ({
      %run_scoped3A = tpu.sem_alloc : memref<!tpu.dma_semaphore, #tpu.memory_space<semaphore_mem>>
      %dma_start3A = tpu.memref_slice %arg30[%mul3A_0] : memref<32000xf32, #tpu.memory_space<vmem_shared>> -> memref<2000xf32, #tpu.memory_space<vmem_shared>>
      %dma_start3A_98 = tpu.memref_slice %arg30[%mul3A_0] : memref<32000xf32, #tpu.memory_space<vmem_shared>> -> memref<2000xf32, #tpu.memory_space<vmem_shared>>
      tpu.enqueue_dma source(%arg22 : memref<2000xf32, #tpu.memory_space<vmem>>) target(%dma_start3A_98 : memref<2000xf32, #tpu.memory_space<vmem_shared>>) target_semaphore(%run_scoped3A : memref<!tpu.dma_semaphore, #tpu.memory_space<semaphore_mem>>)
      %dma_wait3A = tpu.memref_slice %arg30[%mul3A_0] : memref<32000xf32, #tpu.memory_space<vmem_shared>> -> memref<2000xf32, #tpu.memory_space<vmem_shared>>
      %dma_wait3A_99 = tpu.memref_slice %arg30[%mul3A_0] : memref<32000xf32, #tpu.memory_space<vmem_shared>> -> memref<2000xf32, #tpu.memory_space<vmem_shared>>
      tpu.wait_dma2 semaphore(%run_scoped3A : memref<!tpu.dma_semaphore, #tpu.memory_space<semaphore_mem>>) src(%arg22 : memref<2000xf32, #tpu.memory_space<vmem>>) dst(%dma_wait3A_99 : memref<2000xf32, #tpu.memory_space<vmem_shared>>)
      tpu.yield
    }) : () -> ()
    %scan3A_51 = arith.constant 0 : i32
    %scan3A_52 = arith.constant 0 : i32
    %scan3A_53 = arith.constant 125 : i32
    %scan3A_54 = arith.addi %scan3A_52, %scan3A_53 : i32
    %scan3A_55 = arith.constant 1 : i32
    %scan3A_56 = scf.for %scan3A_98 = %scan3A_52 to %scan3A_54 step %scan3A_55 iter_args(%scan3A_99 = %scan3A_51) -> (i32)  : i32 {
      %mul3A_100 = arith.constant 16 : i32
      %mul3A_101 = arith.muli %scan3A_98, %mul3A_100 : i32
      %get3A = arith.index_cast %mul3A_101 : i32 to index
      %get3A_102 = tpu.vector_load %arg22[%get3A] {strides = array<i32>} : memref<2000xf32, #tpu.memory_space<vmem>>, vector<16xf32>,
      %get3A_103 = vector.shape_cast %get3A_102 : vector<16xf32> to vector<16xf32>
      %mul3A_104 = arith.constant 16 : i32
      %mul3A_105 = arith.muli %scan3A_98, %mul3A_104 : i32
      %get3A_106 = arith.index_cast %mul3A_105 : i32 to index
      %get3A_107 = tpu.vector_load %arg21[%get3A_106] {strides = array<i32>} : memref<2000xf32, #tpu.memory_space<vmem>>, vector<16xf32>,
      %get3A_108 = vector.shape_cast %get3A_107 : vector<16xf32> to vector<16xf32>
      %max3A = arith.constant 0.000000e+00 : f32
      %max3A_109 = vector.broadcast %max3A : f32 to vector<16xf32>
      %max3A_110 = arith.maximumf %get3A_103, %max3A_109 : vector<16xf32>
      %mul3A_111 = arith.mulf %get3A_108, %max3A_110 : vector<16xf32>
      %mul3A_112 = arith.constant 16 : i32
      %mul3A_113 = arith.muli %scan3A_98, %mul3A_112 : i32
      %swap3A = arith.index_cast %mul3A_113 : i32 to index
      %swap3A_114 = tpu.vector_load %arg20[%swap3A] {strides = array<i32>} : memref<2000xf32, #tpu.memory_space<vmem>>, vector<16xf32>,
      %swap3A_115 = vector.shape_cast %swap3A_114 : vector<16xf32> to vector<16xf32>
      %swap3A_116 = vector.shape_cast %mul3A_111 : vector<16xf32> to vector<16xf32>
      tpu.vector_store %arg20[%swap3A], %swap3A_116 {strides = array<i32>} : memref<2000xf32, #tpu.memory_space<vmem>>, vector<16xf32>,
      %min3A = arith.constant 0.000000e+00 : f32
      %min3A_117 = vector.broadcast %min3A : f32 to vector<16xf32>
      %min3A_118 = arith.minimumf %get3A_103, %min3A_117 : vector<16xf32>
      %mul3A_119 = arith.mulf %get3A_108, %min3A_118 : vector<16xf32>
      %mul3A_120 = arith.constant 16 : i32
      %mul3A_121 = arith.muli %scan3A_98, %mul3A_120 : i32
      %swap3A_122 = arith.index_cast %mul3A_121 : i32 to index
      %swap3A_123 = tpu.vector_load %arg25[%swap3A_122] {strides = array<i32>} : memref<2000xf32, #tpu.memory_space<vmem>>, vector<16xf32>,
      %swap3A_124 = vector.shape_cast %swap3A_123 : vector<16xf32> to vector<16xf32>
      %swap3A_125 = vector.shape_cast %mul3A_119 : vector<16xf32> to vector<16xf32>
      tpu.vector_store %arg25[%swap3A_122], %swap3A_125 {strides = array<i32>} : memref<2000xf32, #tpu.memory_space<vmem>>, vector<16xf32>,
      %scan3A_126 = arith.constant 0 : i32
      scf.yield %scan3A_126 : i32
    }
    %scan3A_57 = arith.constant 125 : i32
    "tpu.region"() ({
      %run_scoped3A = tpu.sem_alloc : memref<!tpu.dma_semaphore, #tpu.memory_space<semaphore_mem>>
      %dma_start3A = tpu.memref_slice %arg28[%mul3A_0] : memref<32000xf32, #tpu.memory_space<vmem_shared>> -> memref<2000xf32, #tpu.memory_space<vmem_shared>>
      %dma_start3A_98 = tpu.memref_slice %arg28[%mul3A_0] : memref<32000xf32, #tpu.memory_space<vmem_shared>> -> memref<2000xf32, #tpu.memory_space<vmem_shared>>
      tpu.enqueue_dma source(%arg20 : memref<2000xf32, #tpu.memory_space<vmem>>) target(%dma_start3A_98 : memref<2000xf32, #tpu.memory_space<vmem_shared>>) target_semaphore(%run_scoped3A : memref<!tpu.dma_semaphore, #tpu.memory_space<semaphore_mem>>)
      %dma_wait3A = tpu.memref_slice %arg28[%mul3A_0] : memref<32000xf32, #tpu.memory_space<vmem_shared>> -> memref<2000xf32, #tpu.memory_space<vmem_shared>>
      %dma_wait3A_99 = tpu.memref_slice %arg28[%mul3A_0] : memref<32000xf32, #tpu.memory_space<vmem_shared>> -> memref<2000xf32, #tpu.memory_space<vmem_shared>>
      tpu.wait_dma2 semaphore(%run_scoped3A : memref<!tpu.dma_semaphore, #tpu.memory_space<semaphore_mem>>) src(%arg20 : memref<2000xf32, #tpu.memory_space<vmem>>) dst(%dma_wait3A_99 : memref<2000xf32, #tpu.memory_space<vmem_shared>>)
      tpu.yield
    }) : () -> ()
    "tpu.region"() ({
      %run_scoped3A = tpu.sem_alloc : memref<!tpu.dma_semaphore, #tpu.memory_space<semaphore_mem>>
      %dma_start3A = tpu.memref_slice %arg29[%mul3A_0] : memref<32000xf32, #tpu.memory_space<vmem_shared>> -> memref<2000xf32, #tpu.memory_space<vmem_shared>>
      %dma_start3A_98 = tpu.memref_slice %arg29[%mul3A_0] : memref<32000xf32, #tpu.memory_space<vmem_shared>> -> memref<2000xf32, #tpu.memory_space<vmem_shared>>
      tpu.enqueue_dma source(%arg25 : memref<2000xf32, #tpu.memory_space<vmem>>) target(%dma_start3A_98 : memref<2000xf32, #tpu.memory_space<vmem_shared>>) target_semaphore(%run_scoped3A : memref<!tpu.dma_semaphore, #tpu.memory_space<semaphore_mem>>)
      %dma_wait3A = tpu.memref_slice %arg29[%mul3A_0] : memref<32000xf32, #tpu.memory_space<vmem_shared>> -> memref<2000xf32, #tpu.memory_space<vmem_shared>>
      %dma_wait3A_99 = tpu.memref_slice %arg29[%mul3A_0] : memref<32000xf32, #tpu.memory_space<vmem_shared>> -> memref<2000xf32, #tpu.memory_space<vmem_shared>>
      tpu.wait_dma2 semaphore(%run_scoped3A : memref<!tpu.dma_semaphore, #tpu.memory_space<semaphore_mem>>) src(%arg25 : memref<2000xf32, #tpu.memory_space<vmem>>) dst(%dma_wait3A_99 : memref<2000xf32, #tpu.memory_space<vmem_shared>>)
      tpu.yield
    }) : () -> ()
    %barrier3A_58 = arith.constant 0 : index
    tpu.barrier barrier_id(%barrier3A_58)
    "tpu.region"() ({
      %run_scoped3A = tpu.sem_alloc : memref<!tpu.dma_semaphore, #tpu.memory_space<semaphore_mem>>
      %dma_start3A = arith.constant 0 : i32
      %dma_start3A_98 = tpu.memref_slice %arg30[%dma_start3A] : memref<32000xf32, #tpu.memory_space<vmem_shared>> -> memref<32000xf32, #tpu.memory_space<vmem_shared>>
      tpu.enqueue_indirect_dma source(%dma_start3A_98 : memref<32000xf32, #tpu.memory_space<vmem_shared>>) target(%arg17 : memref<2000xf32, #tpu.memory_space<vmem>>) offsets(%arg11 : memref<2000xi32, #tpu.memory_space<vmem>>) semaphore(%run_scoped3A : memref<!tpu.dma_semaphore, #tpu.memory_space<semaphore_mem>>)
      %dma_wait3A = arith.constant 0 : i32
      %dma_wait3A_99 = tpu.memref_slice %arg30[%dma_wait3A] : memref<32000xf32, #tpu.memory_space<vmem_shared>> -> memref<32000xf32, #tpu.memory_space<vmem_shared>>
      tpu.wait_indirect_dma semaphore(%run_scoped3A : memref<!tpu.dma_semaphore, #tpu.memory_space<semaphore_mem>>) src(%dma_wait3A_99 : memref<32000xf32, #tpu.memory_space<vmem_shared>>) dst(%arg17 : memref<2000xf32, #tpu.memory_space<vmem>>)
      tpu.yield
    }) : () -> ()
    %scan3A_59 = arith.constant 0 : i32
    %scan3A_60 = arith.constant 0 : i32
    %scan3A_61 = arith.constant 125 : i32
    %scan3A_62 = arith.addi %scan3A_60, %scan3A_61 : i32
    %scan3A_63 = arith.constant 1 : i32
    %scan3A_64 = scf.for %scan3A_98 = %scan3A_60 to %scan3A_62 step %scan3A_63 iter_args(%scan3A_99 = %scan3A_59) -> (i32)  : i32 {
      %mul3A_100 = arith.constant 16 : i32
      %mul3A_101 = arith.muli %scan3A_98, %mul3A_100 : i32
      %get3A = arith.index_cast %mul3A_101 : i32 to index
      %get3A_102 = tpu.vector_load %arg17[%get3A] {strides = array<i32>} : memref<2000xf32, #tpu.memory_space<vmem>>, vector<16xf32>,
      %get3A_103 = vector.shape_cast %get3A_102 : vector<16xf32> to vector<16xf32>
      %mul3A_104 = arith.constant 16 : i32
      %mul3A_105 = arith.muli %scan3A_98, %mul3A_104 : i32
      %get3A_106 = arith.index_cast %mul3A_105 : i32 to index
      %get3A_107 = tpu.vector_load %arg19[%get3A_106] {strides = array<i32>} : memref<2000xf32, #tpu.memory_space<vmem>>, vector<16xf32>,
      %get3A_108 = vector.shape_cast %get3A_107 : vector<16xf32> to vector<16xf32>
      %max3A = arith.constant 0.000000e+00 : f32
      %max3A_109 = vector.broadcast %max3A : f32 to vector<16xf32>
      %max3A_110 = arith.maximumf %get3A_103, %max3A_109 : vector<16xf32>
      %mul3A_111 = arith.mulf %get3A_108, %max3A_110 : vector<16xf32>
      %mul3A_112 = arith.constant 16 : i32
      %mul3A_113 = arith.muli %scan3A_98, %mul3A_112 : i32
      %swap3A = arith.index_cast %mul3A_113 : i32 to index
      %swap3A_114 = tpu.vector_load %arg18[%swap3A] {strides = array<i32>} : memref<2000xf32, #tpu.memory_space<vmem>>, vector<16xf32>,
      %swap3A_115 = vector.shape_cast %swap3A_114 : vector<16xf32> to vector<16xf32>
      %swap3A_116 = vector.shape_cast %mul3A_111 : vector<16xf32> to vector<16xf32>
      tpu.vector_store %arg18[%swap3A], %swap3A_116 {strides = array<i32>} : memref<2000xf32, #tpu.memory_space<vmem>>, vector<16xf32>,
      %min3A = arith.constant 0.000000e+00 : f32
      %min3A_117 = vector.broadcast %min3A : f32 to vector<16xf32>
      %min3A_118 = arith.minimumf %get3A_103, %min3A_117 : vector<16xf32>
      %mul3A_119 = arith.mulf %get3A_108, %min3A_118 : vector<16xf32>
      %mul3A_120 = arith.constant 16 : i32
      %mul3A_121 = arith.muli %scan3A_98, %mul3A_120 : i32
      %swap3A_122 = arith.index_cast %mul3A_121 : i32 to index
      %swap3A_123 = tpu.vector_load %arg20[%swap3A_122] {strides = array<i32>} : memref<2000xf32, #tpu.memory_space<vmem>>, vector<16xf32>,
      %swap3A_124 = vector.shape_cast %swap3A_123 : vector<16xf32> to vector<16xf32>
      %swap3A_125 = vector.shape_cast %mul3A_119 : vector<16xf32> to vector<16xf32>
      tpu.vector_store %arg20[%swap3A_122], %swap3A_125 {strides = array<i32>} : memref<2000xf32, #tpu.memory_space<vmem>>, vector<16xf32>,
      %scan3A_126 = arith.constant 0 : i32
      scf.yield %scan3A_126 : i32
    }
    %scan3A_65 = arith.constant 125 : i32
    "tpu.region"() ({
      %run_scoped3A = tpu.sem_alloc : memref<!tpu.dma_semaphore, #tpu.memory_space<semaphore_mem>>
      %dma_start3A = arith.constant 0 : i32
      %dma_start3A_98 = tpu.memref_slice %arg28[%dma_start3A] : memref<32000xf32, #tpu.memory_space<vmem_shared>> -> memref<32000xf32, #tpu.memory_space<vmem_shared>>
      tpu.enqueue_indirect_dma source(%arg18 : memref<2000xf32, #tpu.memory_space<vmem>>) target(%dma_start3A_98 : memref<32000xf32, #tpu.memory_space<vmem_shared>>) offsets(%arg12 : memref<2000xi32, #tpu.memory_space<vmem>>) semaphore(%run_scoped3A : memref<!tpu.dma_semaphore, #tpu.memory_space<semaphore_mem>>) {add = true}
      %dma_wait3A = arith.constant 0 : i32
      %dma_wait3A_99 = tpu.memref_slice %arg28[%dma_wait3A] : memref<32000xf32, #tpu.memory_space<vmem_shared>> -> memref<32000xf32, #tpu.memory_space<vmem_shared>>
      tpu.wait_indirect_dma semaphore(%run_scoped3A : memref<!tpu.dma_semaphore, #tpu.memory_space<semaphore_mem>>) src(%arg18 : memref<2000xf32, #tpu.memory_space<vmem>>) dst(%dma_wait3A_99 : memref<32000xf32, #tpu.memory_space<vmem_shared>>)
      tpu.yield
    }) : () -> ()
    "tpu.region"() ({
      %run_scoped3A = tpu.sem_alloc : memref<!tpu.dma_semaphore, #tpu.memory_space<semaphore_mem>>
      %dma_start3A = arith.constant 0 : i32
      %dma_start3A_98 = tpu.memref_slice %arg29[%dma_start3A] : memref<32000xf32, #tpu.memory_space<vmem_shared>> -> memref<32000xf32, #tpu.memory_space<vmem_shared>>
      tpu.enqueue_indirect_dma source(%arg20 : memref<2000xf32, #tpu.memory_space<vmem>>) target(%dma_start3A_98 : memref<32000xf32, #tpu.memory_space<vmem_shared>>) offsets(%arg12 : memref<2000xi32, #tpu.memory_space<vmem>>) semaphore(%run_scoped3A : memref<!tpu.dma_semaphore, #tpu.memory_space<semaphore_mem>>) {add = true}
      %dma_wait3A = arith.constant 0 : i32
      %dma_wait3A_99 = tpu.memref_slice %arg29[%dma_wait3A] : memref<32000xf32, #tpu.memory_space<vmem_shared>> -> memref<32000xf32, #tpu.memory_space<vmem_shared>>
      tpu.wait_indirect_dma semaphore(%run_scoped3A : memref<!tpu.dma_semaphore, #tpu.memory_space<semaphore_mem>>) src(%arg20 : memref<2000xf32, #tpu.memory_space<vmem>>) dst(%dma_wait3A_99 : memref<32000xf32, #tpu.memory_space<vmem_shared>>)
      tpu.yield
    }) : () -> ()
    %barrier3A_66 = arith.constant 0 : index
    tpu.barrier barrier_id(%barrier3A_66)
    "tpu.region"() ({
      %run_scoped3A = tpu.sem_alloc : memref<!tpu.dma_semaphore, #tpu.memory_space<semaphore_mem>>
      %dma_start3A = tpu.memref_slice %arg28[%mul3A_0] : memref<32000xf32, #tpu.memory_space<vmem_shared>> -> memref<2000xf32, #tpu.memory_space<vmem_shared>>
      %dma_start3A_98 = tpu.memref_slice %arg28[%mul3A_0] : memref<32000xf32, #tpu.memory_space<vmem_shared>> -> memref<2000xf32, #tpu.memory_space<vmem_shared>>
      tpu.enqueue_dma source(%dma_start3A_98 : memref<2000xf32, #tpu.memory_space<vmem_shared>>) target(%arg23 : memref<2000xf32, #tpu.memory_space<vmem>>) target_semaphore(%run_scoped3A : memref<!tpu.dma_semaphore, #tpu.memory_space<semaphore_mem>>)
      %dma_wait3A = tpu.memref_slice %arg28[%mul3A_0] : memref<32000xf32, #tpu.memory_space<vmem_shared>> -> memref<2000xf32, #tpu.memory_space<vmem_shared>>
      %dma_wait3A_99 = tpu.memref_slice %arg28[%mul3A_0] : memref<32000xf32, #tpu.memory_space<vmem_shared>> -> memref<2000xf32, #tpu.memory_space<vmem_shared>>
      tpu.wait_dma2 semaphore(%run_scoped3A : memref<!tpu.dma_semaphore, #tpu.memory_space<semaphore_mem>>) src(%dma_wait3A_99 : memref<2000xf32, #tpu.memory_space<vmem_shared>>) dst(%arg23 : memref<2000xf32, #tpu.memory_space<vmem>>)
      tpu.yield
    }) : () -> ()
    "tpu.region"() ({
      %run_scoped3A = tpu.sem_alloc : memref<!tpu.dma_semaphore, #tpu.memory_space<semaphore_mem>>
      %dma_start3A = tpu.memref_slice %arg29[%mul3A_0] : memref<32000xf32, #tpu.memory_space<vmem_shared>> -> memref<2000xf32, #tpu.memory_space<vmem_shared>>
      %dma_start3A_98 = tpu.memref_slice %arg29[%mul3A_0] : memref<32000xf32, #tpu.memory_space<vmem_shared>> -> memref<2000xf32, #tpu.memory_space<vmem_shared>>
      tpu.enqueue_dma source(%dma_start3A_98 : memref<2000xf32, #tpu.memory_space<vmem_shared>>) target(%arg24 : memref<2000xf32, #tpu.memory_space<vmem>>) target_semaphore(%run_scoped3A : memref<!tpu.dma_semaphore, #tpu.memory_space<semaphore_mem>>)
      %dma_wait3A = tpu.memref_slice %arg29[%mul3A_0] : memref<32000xf32, #tpu.memory_space<vmem_shared>> -> memref<2000xf32, #tpu.memory_space<vmem_shared>>
      %dma_wait3A_99 = tpu.memref_slice %arg29[%mul3A_0] : memref<32000xf32, #tpu.memory_space<vmem_shared>> -> memref<2000xf32, #tpu.memory_space<vmem_shared>>
      tpu.wait_dma2 semaphore(%run_scoped3A : memref<!tpu.dma_semaphore, #tpu.memory_space<semaphore_mem>>) src(%dma_wait3A_99 : memref<2000xf32, #tpu.memory_space<vmem_shared>>) dst(%arg24 : memref<2000xf32, #tpu.memory_space<vmem>>)
      tpu.yield
    }) : () -> ()
    %scan3A_67 = arith.constant 0 : i32
    %scan3A_68 = arith.constant 0 : i32
    %scan3A_69 = arith.constant 16 : i32
    %scan3A_70 = arith.addi %scan3A_68, %scan3A_69 : i32
    %scan3A_71 = arith.constant 1 : i32
    %scan3A_72 = scf.for %scan3A_98 = %scan3A_68 to %scan3A_70 step %scan3A_71 iter_args(%scan3A_99 = %scan3A_67) -> (i32)  : i32 {
      %mul3A_100 = arith.constant 16 : i32
      %mul3A_101 = arith.muli %scan3A_98, %mul3A_100 : i32
      %swap3A = arith.index_cast %mul3A_101 : i32 to index
      %swap3A_102 = tpu.vector_load %arg27[%swap3A] {strides = array<i32>} : memref<256xf32, #tpu.memory_space<vmem>>, vector<16xf32>,
      %swap3A_103 = vector.shape_cast %swap3A_102 : vector<16xf32> to vector<16xf32>
      %swap3A_104 = vector.shape_cast %broadcast_in_dim3A_1 : vector<16xf32> to vector<16xf32>
      tpu.vector_store %arg27[%swap3A], %swap3A_104 {strides = array<i32>} : memref<256xf32, #tpu.memory_space<vmem>>, vector<16xf32>,
      %scan3A_105 = arith.constant 0 : i32
      scf.yield %scan3A_105 : i32
    }
    %scan3A_73 = arith.constant 16 : i32
    %scan3A_74 = arith.constant 0 : i32
    %scan3A_75 = arith.constant 0 : i32
    %scan3A_76 = arith.constant 125 : i32
    %scan3A_77 = arith.addi %scan3A_75, %scan3A_76 : i32
    %scan3A_78 = arith.constant 1 : i32
    %scan3A_79 = scf.for %scan3A_98 = %scan3A_75 to %scan3A_77 step %scan3A_78 iter_args(%scan3A_99 = %scan3A_74) -> (i32)  : i32 {
      %mul3A_100 = arith.constant 16 : i32
      %mul3A_101 = arith.muli %scan3A_98, %mul3A_100 : i32
      %get3A = arith.index_cast %mul3A_101 : i32 to index
      %get3A_102 = tpu.vector_load %arg23[%get3A] {strides = array<i32>} : memref<2000xf32, #tpu.memory_space<vmem>>, vector<16xf32>,
      %get3A_103 = vector.shape_cast %get3A_102 : vector<16xf32> to vector<16xf32>
      %mul3A_104 = arith.constant 16 : i32
      %mul3A_105 = arith.muli %scan3A_98, %mul3A_104 : i32
      %get3A_106 = arith.index_cast %mul3A_105 : i32 to index
      %get3A_107 = tpu.vector_load %arg24[%get3A_106] {strides = array<i32>} : memref<2000xf32, #tpu.memory_space<vmem>>, vector<16xf32>,
      %get3A_108 = vector.shape_cast %get3A_107 : vector<16xf32> to vector<16xf32>
      %get3A_109 = arith.constant 0 : i32
      %get3A_110 = arith.index_cast %get3A_109 : i32 to index
      %get3A_111 = arith.constant 0 : index
      %get3A_112 = tpu.vector_load %arg13[%get3A_110, %get3A_111] {strides = array<i32>} : memref<16x16xf32, #tpu.memory_space<vmem>>, vector<1x16xf32>,
      %get3A_113 = vector.shape_cast %get3A_112 : vector<1x16xf32> to vector<16xf32>
      %mul3A_114 = arith.mulf %get3A_103, %get3A_113 : vector<16xf32>
      %get3A_115 = arith.constant 0 : i32
      %get3A_116 = arith.index_cast %get3A_115 : i32 to index
      %get3A_117 = arith.constant 0 : index
      %get3A_118 = tpu.vector_load %arg14[%get3A_116, %get3A_117] {strides = array<i32>} : memref<16x16xf32, #tpu.memory_space<vmem>>, vector<1x16xf32>,
      %get3A_119 = vector.shape_cast %get3A_118 : vector<1x16xf32> to vector<16xf32>
      %mul3A_120 = arith.mulf %get3A_108, %get3A_119 : vector<16xf32>
      %add3A = arith.addf %mul3A_114, %mul3A_120 : vector<16xf32>
      %get3A_121 = arith.constant 0 : i32
      %get3A_122 = arith.index_cast %get3A_121 : i32 to index
      %get3A_123 = arith.constant 0 : index
      %get3A_124 = tpu.vector_load %arg15[%get3A_122, %get3A_123] {strides = array<i32>} : memref<16x16xf32, #tpu.memory_space<vmem>>, vector<1x16xf32>,
      %get3A_125 = vector.shape_cast %get3A_124 : vector<1x16xf32> to vector<16xf32>
      %add3A_126 = arith.addf %add3A, %get3A_125 : vector<16xf32>
      %max3A = arith.constant 0.000000e+00 : f32
      %max3A_127 = vector.broadcast %max3A : f32 to vector<16xf32>
      %max3A_128 = arith.maximumf %add3A_126, %max3A_127 : vector<16xf32>
      %get3A_129 = arith.constant 0 : i32
      %get3A_130 = arith.index_cast %get3A_129 : i32 to index
      %get3A_131 = arith.constant 0 : index
      %get3A_132 = tpu.vector_load %arg16[%get3A_130, %get3A_131] {strides = array<i32>} : memref<16x16xf32, #tpu.memory_space<vmem>>, vector<1x16xf32>,
      %get3A_133 = vector.shape_cast %get3A_132 : vector<1x16xf32> to vector<16xf32>
      %mul3A_134 = arith.mulf %max3A_128, %get3A_133 : vector<16xf32>
      %add3A_135 = arith.addf %broadcast_in_dim3A_1, %mul3A_134 : vector<16xf32>
      %get3A_136 = arith.constant 0 : index
      %get3A_137 = tpu.vector_load %arg27[%get3A_136] {strides = array<i32>} : memref<256xf32, #tpu.memory_space<vmem>>, vector<16xf32>,
      %get3A_138 = vector.shape_cast %get3A_137 : vector<16xf32> to vector<16xf32>
      %add3A_139 = arith.addf %get3A_138, %max3A_128 : vector<16xf32>
      %swap3A = arith.constant 0 : index
      %swap3A_140 = tpu.vector_load %arg27[%swap3A] {strides = array<i32>} : memref<256xf32, #tpu.memory_space<vmem>>, vector<16xf32>,
      %swap3A_141 = vector.shape_cast %swap3A_140 : vector<16xf32> to vector<16xf32>
      %swap3A_142 = vector.shape_cast %add3A_139 : vector<16xf32> to vector<16xf32>
      tpu.vector_store %arg27[%swap3A], %swap3A_142 {strides = array<i32>} : memref<256xf32, #tpu.memory_space<vmem>>, vector<16xf32>,
      %get3A_143 = arith.constant 1 : i32
      %get3A_144 = arith.index_cast %get3A_143 : i32 to index
      %get3A_145 = arith.constant 0 : index
      %get3A_146 = tpu.vector_load %arg13[%get3A_144, %get3A_145] {strides = array<i32>} : memref<16x16xf32, #tpu.memory_space<vmem>>, vector<1x16xf32>,
      %get3A_147 = vector.shape_cast %get3A_146 : vector<1x16xf32> to vector<16xf32>
      %mul3A_148 = arith.mulf %get3A_103, %get3A_147 : vector<16xf32>
      %get3A_149 = arith.constant 1 : i32
      %get3A_150 = arith.index_cast %get3A_149 : i32 to index
      %get3A_151 = arith.constant 0 : index
      %get3A_152 = tpu.vector_load %arg14[%get3A_150, %get3A_151] {strides = array<i32>} : memref<16x16xf32, #tpu.memory_space<vmem>>, vector<1x16xf32>,
      %get3A_153 = vector.shape_cast %get3A_152 : vector<1x16xf32> to vector<16xf32>
      %mul3A_154 = arith.mulf %get3A_108, %get3A_153 : vector<16xf32>
      %add3A_155 = arith.addf %mul3A_148, %mul3A_154 : vector<16xf32>
      %get3A_156 = arith.constant 1 : i32
      %get3A_157 = arith.index_cast %get3A_156 : i32 to index
      %get3A_158 = arith.constant 0 : index
      %get3A_159 = tpu.vector_load %arg15[%get3A_157, %get3A_158] {strides = array<i32>} : memref<16x16xf32, #tpu.memory_space<vmem>>, vector<1x16xf32>,
      %get3A_160 = vector.shape_cast %get3A_159 : vector<1x16xf32> to vector<16xf32>
      %add3A_161 = arith.addf %add3A_155, %get3A_160 : vector<16xf32>
      %max3A_162 = arith.constant 0.000000e+00 : f32
      %max3A_163 = vector.broadcast %max3A_162 : f32 to vector<16xf32>
      %max3A_164 = arith.maximumf %add3A_161, %max3A_163 : vector<16xf32>
      %get3A_165 = arith.constant 1 : i32
      %get3A_166 = arith.index_cast %get3A_165 : i32 to index
      %get3A_167 = arith.constant 0 : index
      %get3A_168 = tpu.vector_load %arg16[%get3A_166, %get3A_167] {strides = array<i32>} : memref<16x16xf32, #tpu.memory_space<vmem>>, vector<1x16xf32>,
      %get3A_169 = vector.shape_cast %get3A_168 : vector<1x16xf32> to vector<16xf32>
      %mul3A_170 = arith.mulf %max3A_164, %get3A_169 : vector<16xf32>
      %add3A_171 = arith.addf %add3A_135, %mul3A_170 : vector<16xf32>
      %get3A_172 = arith.constant 16 : index
      %get3A_173 = tpu.vector_load %arg27[%get3A_172] {strides = array<i32>} : memref<256xf32, #tpu.memory_space<vmem>>, vector<16xf32>,
      %get3A_174 = vector.shape_cast %get3A_173 : vector<16xf32> to vector<16xf32>
      %add3A_175 = arith.addf %get3A_174, %max3A_164 : vector<16xf32>
      %swap3A_176 = arith.constant 16 : index
      %swap3A_177 = tpu.vector_load %arg27[%swap3A_176] {strides = array<i32>} : memref<256xf32, #tpu.memory_space<vmem>>, vector<16xf32>,
      %swap3A_178 = vector.shape_cast %swap3A_177 : vector<16xf32> to vector<16xf32>
      %swap3A_179 = vector.shape_cast %add3A_175 : vector<16xf32> to vector<16xf32>
      tpu.vector_store %arg27[%swap3A_176], %swap3A_179 {strides = array<i32>} : memref<256xf32, #tpu.memory_space<vmem>>, vector<16xf32>,
      %get3A_180 = arith.constant 2 : i32
      %get3A_181 = arith.index_cast %get3A_180 : i32 to index
      %get3A_182 = arith.constant 0 : index
      %get3A_183 = tpu.vector_load %arg13[%get3A_181, %get3A_182] {strides = array<i32>} : memref<16x16xf32, #tpu.memory_space<vmem>>, vector<1x16xf32>,
      %get3A_184 = vector.shape_cast %get3A_183 : vector<1x16xf32> to vector<16xf32>
      %mul3A_185 = arith.mulf %get3A_103, %get3A_184 : vector<16xf32>
      %get3A_186 = arith.constant 2 : i32
      %get3A_187 = arith.index_cast %get3A_186 : i32 to index
      %get3A_188 = arith.constant 0 : index
      %get3A_189 = tpu.vector_load %arg14[%get3A_187, %get3A_188] {strides = array<i32>} : memref<16x16xf32, #tpu.memory_space<vmem>>, vector<1x16xf32>,
      %get3A_190 = vector.shape_cast %get3A_189 : vector<1x16xf32> to vector<16xf32>
      %mul3A_191 = arith.mulf %get3A_108, %get3A_190 : vector<16xf32>
      %add3A_192 = arith.addf %mul3A_185, %mul3A_191 : vector<16xf32>
      %get3A_193 = arith.constant 2 : i32
      %get3A_194 = arith.index_cast %get3A_193 : i32 to index
      %get3A_195 = arith.constant 0 : index
      %get3A_196 = tpu.vector_load %arg15[%get3A_194, %get3A_195] {strides = array<i32>} : memref<16x16xf32, #tpu.memory_space<vmem>>, vector<1x16xf32>,
      %get3A_197 = vector.shape_cast %get3A_196 : vector<1x16xf32> to vector<16xf32>
      %add3A_198 = arith.addf %add3A_192, %get3A_197 : vector<16xf32>
      %max3A_199 = arith.constant 0.000000e+00 : f32
      %max3A_200 = vector.broadcast %max3A_199 : f32 to vector<16xf32>
      %max3A_201 = arith.maximumf %add3A_198, %max3A_200 : vector<16xf32>
      %get3A_202 = arith.constant 2 : i32
      %get3A_203 = arith.index_cast %get3A_202 : i32 to index
      %get3A_204 = arith.constant 0 : index
      %get3A_205 = tpu.vector_load %arg16[%get3A_203, %get3A_204] {strides = array<i32>} : memref<16x16xf32, #tpu.memory_space<vmem>>, vector<1x16xf32>,
      %get3A_206 = vector.shape_cast %get3A_205 : vector<1x16xf32> to vector<16xf32>
      %mul3A_207 = arith.mulf %max3A_201, %get3A_206 : vector<16xf32>
      %add3A_208 = arith.addf %add3A_171, %mul3A_207 : vector<16xf32>
      %get3A_209 = arith.constant 32 : index
      %get3A_210 = tpu.vector_load %arg27[%get3A_209] {strides = array<i32>} : memref<256xf32, #tpu.memory_space<vmem>>, vector<16xf32>,
      %get3A_211 = vector.shape_cast %get3A_210 : vector<16xf32> to vector<16xf32>
      %add3A_212 = arith.addf %get3A_211, %max3A_201 : vector<16xf32>
      %swap3A_213 = arith.constant 32 : index
      %swap3A_214 = tpu.vector_load %arg27[%swap3A_213] {strides = array<i32>} : memref<256xf32, #tpu.memory_space<vmem>>, vector<16xf32>,
      %swap3A_215 = vector.shape_cast %swap3A_214 : vector<16xf32> to vector<16xf32>
      %swap3A_216 = vector.shape_cast %add3A_212 : vector<16xf32> to vector<16xf32>
      tpu.vector_store %arg27[%swap3A_213], %swap3A_216 {strides = array<i32>} : memref<256xf32, #tpu.memory_space<vmem>>, vector<16xf32>,
      %get3A_217 = arith.constant 3 : i32
      %get3A_218 = arith.index_cast %get3A_217 : i32 to index
      %get3A_219 = arith.constant 0 : index
      %get3A_220 = tpu.vector_load %arg13[%get3A_218, %get3A_219] {strides = array<i32>} : memref<16x16xf32, #tpu.memory_space<vmem>>, vector<1x16xf32>,
      %get3A_221 = vector.shape_cast %get3A_220 : vector<1x16xf32> to vector<16xf32>
      %mul3A_222 = arith.mulf %get3A_103, %get3A_221 : vector<16xf32>
      %get3A_223 = arith.constant 3 : i32
      %get3A_224 = arith.index_cast %get3A_223 : i32 to index
      %get3A_225 = arith.constant 0 : index
      %get3A_226 = tpu.vector_load %arg14[%get3A_224, %get3A_225] {strides = array<i32>} : memref<16x16xf32, #tpu.memory_space<vmem>>, vector<1x16xf32>,
      %get3A_227 = vector.shape_cast %get3A_226 : vector<1x16xf32> to vector<16xf32>
      %mul3A_228 = arith.mulf %get3A_108, %get3A_227 : vector<16xf32>
      %add3A_229 = arith.addf %mul3A_222, %mul3A_228 : vector<16xf32>
      %get3A_230 = arith.constant 3 : i32
      %get3A_231 = arith.index_cast %get3A_230 : i32 to index
      %get3A_232 = arith.constant 0 : index
      %get3A_233 = tpu.vector_load %arg15[%get3A_231, %get3A_232] {strides = array<i32>} : memref<16x16xf32, #tpu.memory_space<vmem>>, vector<1x16xf32>,
      %get3A_234 = vector.shape_cast %get3A_233 : vector<1x16xf32> to vector<16xf32>
      %add3A_235 = arith.addf %add3A_229, %get3A_234 : vector<16xf32>
      %max3A_236 = arith.constant 0.000000e+00 : f32
      %max3A_237 = vector.broadcast %max3A_236 : f32 to vector<16xf32>
      %max3A_238 = arith.maximumf %add3A_235, %max3A_237 : vector<16xf32>
      %get3A_239 = arith.constant 3 : i32
      %get3A_240 = arith.index_cast %get3A_239 : i32 to index
      %get3A_241 = arith.constant 0 : index
      %get3A_242 = tpu.vector_load %arg16[%get3A_240, %get3A_241] {strides = array<i32>} : memref<16x16xf32, #tpu.memory_space<vmem>>, vector<1x16xf32>,
      %get3A_243 = vector.shape_cast %get3A_242 : vector<1x16xf32> to vector<16xf32>
      %mul3A_244 = arith.mulf %max3A_238, %get3A_243 : vector<16xf32>
      %add3A_245 = arith.addf %add3A_208, %mul3A_244 : vector<16xf32>
      %get3A_246 = arith.constant 48 : index
      %get3A_247 = tpu.vector_load %arg27[%get3A_246] {strides = array<i32>} : memref<256xf32, #tpu.memory_space<vmem>>, vector<16xf32>,
      %get3A_248 = vector.shape_cast %get3A_247 : vector<16xf32> to vector<16xf32>
      %add3A_249 = arith.addf %get3A_248, %max3A_238 : vector<16xf32>
      %swap3A_250 = arith.constant 48 : index
      %swap3A_251 = tpu.vector_load %arg27[%swap3A_250] {strides = array<i32>} : memref<256xf32, #tpu.memory_space<vmem>>, vector<16xf32>,
      %swap3A_252 = vector.shape_cast %swap3A_251 : vector<16xf32> to vector<16xf32>
      %swap3A_253 = vector.shape_cast %add3A_249 : vector<16xf32> to vector<16xf32>
      tpu.vector_store %arg27[%swap3A_250], %swap3A_253 {strides = array<i32>} : memref<256xf32, #tpu.memory_space<vmem>>, vector<16xf32>,
      %get3A_254 = arith.constant 4 : i32
      %get3A_255 = arith.index_cast %get3A_254 : i32 to index
      %get3A_256 = arith.constant 0 : index
      %get3A_257 = tpu.vector_load %arg13[%get3A_255, %get3A_256] {strides = array<i32>} : memref<16x16xf32, #tpu.memory_space<vmem>>, vector<1x16xf32>,
      %get3A_258 = vector.shape_cast %get3A_257 : vector<1x16xf32> to vector<16xf32>
      %mul3A_259 = arith.mulf %get3A_103, %get3A_258 : vector<16xf32>
      %get3A_260 = arith.constant 4 : i32
      %get3A_261 = arith.index_cast %get3A_260 : i32 to index
      %get3A_262 = arith.constant 0 : index
      %get3A_263 = tpu.vector_load %arg14[%get3A_261, %get3A_262] {strides = array<i32>} : memref<16x16xf32, #tpu.memory_space<vmem>>, vector<1x16xf32>,
      %get3A_264 = vector.shape_cast %get3A_263 : vector<1x16xf32> to vector<16xf32>
      %mul3A_265 = arith.mulf %get3A_108, %get3A_264 : vector<16xf32>
      %add3A_266 = arith.addf %mul3A_259, %mul3A_265 : vector<16xf32>
      %get3A_267 = arith.constant 4 : i32
      %get3A_268 = arith.index_cast %get3A_267 : i32 to index
      %get3A_269 = arith.constant 0 : index
      %get3A_270 = tpu.vector_load %arg15[%get3A_268, %get3A_269] {strides = array<i32>} : memref<16x16xf32, #tpu.memory_space<vmem>>, vector<1x16xf32>,
      %get3A_271 = vector.shape_cast %get3A_270 : vector<1x16xf32> to vector<16xf32>
      %add3A_272 = arith.addf %add3A_266, %get3A_271 : vector<16xf32>
      %max3A_273 = arith.constant 0.000000e+00 : f32
      %max3A_274 = vector.broadcast %max3A_273 : f32 to vector<16xf32>
      %max3A_275 = arith.maximumf %add3A_272, %max3A_274 : vector<16xf32>
      %get3A_276 = arith.constant 4 : i32
      %get3A_277 = arith.index_cast %get3A_276 : i32 to index
      %get3A_278 = arith.constant 0 : index
      %get3A_279 = tpu.vector_load %arg16[%get3A_277, %get3A_278] {strides = array<i32>} : memref<16x16xf32, #tpu.memory_space<vmem>>, vector<1x16xf32>,
      %get3A_280 = vector.shape_cast %get3A_279 : vector<1x16xf32> to vector<16xf32>
      %mul3A_281 = arith.mulf %max3A_275, %get3A_280 : vector<16xf32>
      %add3A_282 = arith.addf %add3A_245, %mul3A_281 : vector<16xf32>
      %get3A_283 = arith.constant 64 : index
      %get3A_284 = tpu.vector_load %arg27[%get3A_283] {strides = array<i32>} : memref<256xf32, #tpu.memory_space<vmem>>, vector<16xf32>,
      %get3A_285 = vector.shape_cast %get3A_284 : vector<16xf32> to vector<16xf32>
      %add3A_286 = arith.addf %get3A_285, %max3A_275 : vector<16xf32>
      %swap3A_287 = arith.constant 64 : index
      %swap3A_288 = tpu.vector_load %arg27[%swap3A_287] {strides = array<i32>} : memref<256xf32, #tpu.memory_space<vmem>>, vector<16xf32>,
      %swap3A_289 = vector.shape_cast %swap3A_288 : vector<16xf32> to vector<16xf32>
      %swap3A_290 = vector.shape_cast %add3A_286 : vector<16xf32> to vector<16xf32>
      tpu.vector_store %arg27[%swap3A_287], %swap3A_290 {strides = array<i32>} : memref<256xf32, #tpu.memory_space<vmem>>, vector<16xf32>,
      %get3A_291 = arith.constant 5 : i32
      %get3A_292 = arith.index_cast %get3A_291 : i32 to index
      %get3A_293 = arith.constant 0 : index
      %get3A_294 = tpu.vector_load %arg13[%get3A_292, %get3A_293] {strides = array<i32>} : memref<16x16xf32, #tpu.memory_space<vmem>>, vector<1x16xf32>,
      %get3A_295 = vector.shape_cast %get3A_294 : vector<1x16xf32> to vector<16xf32>
      %mul3A_296 = arith.mulf %get3A_103, %get3A_295 : vector<16xf32>
      %get3A_297 = arith.constant 5 : i32
      %get3A_298 = arith.index_cast %get3A_297 : i32 to index
      %get3A_299 = arith.constant 0 : index
      %get3A_300 = tpu.vector_load %arg14[%get3A_298, %get3A_299] {strides = array<i32>} : memref<16x16xf32, #tpu.memory_space<vmem>>, vector<1x16xf32>,
      %get3A_301 = vector.shape_cast %get3A_300 : vector<1x16xf32> to vector<16xf32>
      %mul3A_302 = arith.mulf %get3A_108, %get3A_301 : vector<16xf32>
      %add3A_303 = arith.addf %mul3A_296, %mul3A_302 : vector<16xf32>
      %get3A_304 = arith.constant 5 : i32
      %get3A_305 = arith.index_cast %get3A_304 : i32 to index
      %get3A_306 = arith.constant 0 : index
      %get3A_307 = tpu.vector_load %arg15[%get3A_305, %get3A_306] {strides = array<i32>} : memref<16x16xf32, #tpu.memory_space<vmem>>, vector<1x16xf32>,
      %get3A_308 = vector.shape_cast %get3A_307 : vector<1x16xf32> to vector<16xf32>
      %add3A_309 = arith.addf %add3A_303, %get3A_308 : vector<16xf32>
      %max3A_310 = arith.constant 0.000000e+00 : f32
      %max3A_311 = vector.broadcast %max3A_310 : f32 to vector<16xf32>
      %max3A_312 = arith.maximumf %add3A_309, %max3A_311 : vector<16xf32>
      %get3A_313 = arith.constant 5 : i32
      %get3A_314 = arith.index_cast %get3A_313 : i32 to index
      %get3A_315 = arith.constant 0 : index
      %get3A_316 = tpu.vector_load %arg16[%get3A_314, %get3A_315] {strides = array<i32>} : memref<16x16xf32, #tpu.memory_space<vmem>>, vector<1x16xf32>,
      %get3A_317 = vector.shape_cast %get3A_316 : vector<1x16xf32> to vector<16xf32>
      %mul3A_318 = arith.mulf %max3A_312, %get3A_317 : vector<16xf32>
      %add3A_319 = arith.addf %add3A_282, %mul3A_318 : vector<16xf32>
      %get3A_320 = arith.constant 80 : index
      %get3A_321 = tpu.vector_load %arg27[%get3A_320] {strides = array<i32>} : memref<256xf32, #tpu.memory_space<vmem>>, vector<16xf32>,
      %get3A_322 = vector.shape_cast %get3A_321 : vector<16xf32> to vector<16xf32>
      %add3A_323 = arith.addf %get3A_322, %max3A_312 : vector<16xf32>
      %swap3A_324 = arith.constant 80 : index
      %swap3A_325 = tpu.vector_load %arg27[%swap3A_324] {strides = array<i32>} : memref<256xf32, #tpu.memory_space<vmem>>, vector<16xf32>,
      %swap3A_326 = vector.shape_cast %swap3A_325 : vector<16xf32> to vector<16xf32>
      %swap3A_327 = vector.shape_cast %add3A_323 : vector<16xf32> to vector<16xf32>
      tpu.vector_store %arg27[%swap3A_324], %swap3A_327 {strides = array<i32>} : memref<256xf32, #tpu.memory_space<vmem>>, vector<16xf32>,
      %get3A_328 = arith.constant 6 : i32
      %get3A_329 = arith.index_cast %get3A_328 : i32 to index
      %get3A_330 = arith.constant 0 : index
      %get3A_331 = tpu.vector_load %arg13[%get3A_329, %get3A_330] {strides = array<i32>} : memref<16x16xf32, #tpu.memory_space<vmem>>, vector<1x16xf32>,
      %get3A_332 = vector.shape_cast %get3A_331 : vector<1x16xf32> to vector<16xf32>
      %mul3A_333 = arith.mulf %get3A_103, %get3A_332 : vector<16xf32>
      %get3A_334 = arith.constant 6 : i32
      %get3A_335 = arith.index_cast %get3A_334 : i32 to index
      %get3A_336 = arith.constant 0 : index
      %get3A_337 = tpu.vector_load %arg14[%get3A_335, %get3A_336] {strides = array<i32>} : memref<16x16xf32, #tpu.memory_space<vmem>>, vector<1x16xf32>,
      %get3A_338 = vector.shape_cast %get3A_337 : vector<1x16xf32> to vector<16xf32>
      %mul3A_339 = arith.mulf %get3A_108, %get3A_338 : vector<16xf32>
      %add3A_340 = arith.addf %mul3A_333, %mul3A_339 : vector<16xf32>
      %get3A_341 = arith.constant 6 : i32
      %get3A_342 = arith.index_cast %get3A_341 : i32 to index
      %get3A_343 = arith.constant 0 : index
      %get3A_344 = tpu.vector_load %arg15[%get3A_342, %get3A_343] {strides = array<i32>} : memref<16x16xf32, #tpu.memory_space<vmem>>, vector<1x16xf32>,
      %get3A_345 = vector.shape_cast %get3A_344 : vector<1x16xf32> to vector<16xf32>
      %add3A_346 = arith.addf %add3A_340, %get3A_345 : vector<16xf32>
      %max3A_347 = arith.constant 0.000000e+00 : f32
      %max3A_348 = vector.broadcast %max3A_347 : f32 to vector<16xf32>
      %max3A_349 = arith.maximumf %add3A_346, %max3A_348 : vector<16xf32>
      %get3A_350 = arith.constant 6 : i32
      %get3A_351 = arith.index_cast %get3A_350 : i32 to index
      %get3A_352 = arith.constant 0 : index
      %get3A_353 = tpu.vector_load %arg16[%get3A_351, %get3A_352] {strides = array<i32>} : memref<16x16xf32, #tpu.memory_space<vmem>>, vector<1x16xf32>,
      %get3A_354 = vector.shape_cast %get3A_353 : vector<1x16xf32> to vector<16xf32>
      %mul3A_355 = arith.mulf %max3A_349, %get3A_354 : vector<16xf32>
      %add3A_356 = arith.addf %add3A_319, %mul3A_355 : vector<16xf32>
      %get3A_357 = arith.constant 96 : index
      %get3A_358 = tpu.vector_load %arg27[%get3A_357] {strides = array<i32>} : memref<256xf32, #tpu.memory_space<vmem>>, vector<16xf32>,
      %get3A_359 = vector.shape_cast %get3A_358 : vector<16xf32> to vector<16xf32>
      %add3A_360 = arith.addf %get3A_359, %max3A_349 : vector<16xf32>
      %swap3A_361 = arith.constant 96 : index
      %swap3A_362 = tpu.vector_load %arg27[%swap3A_361] {strides = array<i32>} : memref<256xf32, #tpu.memory_space<vmem>>, vector<16xf32>,
      %swap3A_363 = vector.shape_cast %swap3A_362 : vector<16xf32> to vector<16xf32>
      %swap3A_364 = vector.shape_cast %add3A_360 : vector<16xf32> to vector<16xf32>
      tpu.vector_store %arg27[%swap3A_361], %swap3A_364 {strides = array<i32>} : memref<256xf32, #tpu.memory_space<vmem>>, vector<16xf32>,
      %get3A_365 = arith.constant 7 : i32
      %get3A_366 = arith.index_cast %get3A_365 : i32 to index
      %get3A_367 = arith.constant 0 : index
      %get3A_368 = tpu.vector_load %arg13[%get3A_366, %get3A_367] {strides = array<i32>} : memref<16x16xf32, #tpu.memory_space<vmem>>, vector<1x16xf32>,
      %get3A_369 = vector.shape_cast %get3A_368 : vector<1x16xf32> to vector<16xf32>
      %mul3A_370 = arith.mulf %get3A_103, %get3A_369 : vector<16xf32>
      %get3A_371 = arith.constant 7 : i32
      %get3A_372 = arith.index_cast %get3A_371 : i32 to index
      %get3A_373 = arith.constant 0 : index
      %get3A_374 = tpu.vector_load %arg14[%get3A_372, %get3A_373] {strides = array<i32>} : memref<16x16xf32, #tpu.memory_space<vmem>>, vector<1x16xf32>,
      %get3A_375 = vector.shape_cast %get3A_374 : vector<1x16xf32> to vector<16xf32>
      %mul3A_376 = arith.mulf %get3A_108, %get3A_375 : vector<16xf32>
      %add3A_377 = arith.addf %mul3A_370, %mul3A_376 : vector<16xf32>
      %get3A_378 = arith.constant 7 : i32
      %get3A_379 = arith.index_cast %get3A_378 : i32 to index
      %get3A_380 = arith.constant 0 : index
      %get3A_381 = tpu.vector_load %arg15[%get3A_379, %get3A_380] {strides = array<i32>} : memref<16x16xf32, #tpu.memory_space<vmem>>, vector<1x16xf32>,
      %get3A_382 = vector.shape_cast %get3A_381 : vector<1x16xf32> to vector<16xf32>
      %add3A_383 = arith.addf %add3A_377, %get3A_382 : vector<16xf32>
      %max3A_384 = arith.constant 0.000000e+00 : f32
      %max3A_385 = vector.broadcast %max3A_384 : f32 to vector<16xf32>
      %max3A_386 = arith.maximumf %add3A_383, %max3A_385 : vector<16xf32>
      %get3A_387 = arith.constant 7 : i32
      %get3A_388 = arith.index_cast %get3A_387 : i32 to index
      %get3A_389 = arith.constant 0 : index
      %get3A_390 = tpu.vector_load %arg16[%get3A_388, %get3A_389] {strides = array<i32>} : memref<16x16xf32, #tpu.memory_space<vmem>>, vector<1x16xf32>,
      %get3A_391 = vector.shape_cast %get3A_390 : vector<1x16xf32> to vector<16xf32>
      %mul3A_392 = arith.mulf %max3A_386, %get3A_391 : vector<16xf32>
      %add3A_393 = arith.addf %add3A_356, %mul3A_392 : vector<16xf32>
      %get3A_394 = arith.constant 112 : index
      %get3A_395 = tpu.vector_load %arg27[%get3A_394] {strides = array<i32>} : memref<256xf32, #tpu.memory_space<vmem>>, vector<16xf32>,
      %get3A_396 = vector.shape_cast %get3A_395 : vector<16xf32> to vector<16xf32>
      %add3A_397 = arith.addf %get3A_396, %max3A_386 : vector<16xf32>
      %swap3A_398 = arith.constant 112 : index
      %swap3A_399 = tpu.vector_load %arg27[%swap3A_398] {strides = array<i32>} : memref<256xf32, #tpu.memory_space<vmem>>, vector<16xf32>,
      %swap3A_400 = vector.shape_cast %swap3A_399 : vector<16xf32> to vector<16xf32>
      %swap3A_401 = vector.shape_cast %add3A_397 : vector<16xf32> to vector<16xf32>
      tpu.vector_store %arg27[%swap3A_398], %swap3A_401 {strides = array<i32>} : memref<256xf32, #tpu.memory_space<vmem>>, vector<16xf32>,
      %get3A_402 = arith.constant 8 : i32
      %get3A_403 = arith.index_cast %get3A_402 : i32 to index
      %get3A_404 = arith.constant 0 : index
      %get3A_405 = tpu.vector_load %arg13[%get3A_403, %get3A_404] {strides = array<i32>} : memref<16x16xf32, #tpu.memory_space<vmem>>, vector<1x16xf32>,
      %get3A_406 = vector.shape_cast %get3A_405 : vector<1x16xf32> to vector<16xf32>
      %mul3A_407 = arith.mulf %get3A_103, %get3A_406 : vector<16xf32>
      %get3A_408 = arith.constant 8 : i32
      %get3A_409 = arith.index_cast %get3A_408 : i32 to index
      %get3A_410 = arith.constant 0 : index
      %get3A_411 = tpu.vector_load %arg14[%get3A_409, %get3A_410] {strides = array<i32>} : memref<16x16xf32, #tpu.memory_space<vmem>>, vector<1x16xf32>,
      %get3A_412 = vector.shape_cast %get3A_411 : vector<1x16xf32> to vector<16xf32>
      %mul3A_413 = arith.mulf %get3A_108, %get3A_412 : vector<16xf32>
      %add3A_414 = arith.addf %mul3A_407, %mul3A_413 : vector<16xf32>
      %get3A_415 = arith.constant 8 : i32
      %get3A_416 = arith.index_cast %get3A_415 : i32 to index
      %get3A_417 = arith.constant 0 : index
      %get3A_418 = tpu.vector_load %arg15[%get3A_416, %get3A_417] {strides = array<i32>} : memref<16x16xf32, #tpu.memory_space<vmem>>, vector<1x16xf32>,
      %get3A_419 = vector.shape_cast %get3A_418 : vector<1x16xf32> to vector<16xf32>
      %add3A_420 = arith.addf %add3A_414, %get3A_419 : vector<16xf32>
      %max3A_421 = arith.constant 0.000000e+00 : f32
      %max3A_422 = vector.broadcast %max3A_421 : f32 to vector<16xf32>
      %max3A_423 = arith.maximumf %add3A_420, %max3A_422 : vector<16xf32>
      %get3A_424 = arith.constant 8 : i32
      %get3A_425 = arith.index_cast %get3A_424 : i32 to index
      %get3A_426 = arith.constant 0 : index
      %get3A_427 = tpu.vector_load %arg16[%get3A_425, %get3A_426] {strides = array<i32>} : memref<16x16xf32, #tpu.memory_space<vmem>>, vector<1x16xf32>,
      %get3A_428 = vector.shape_cast %get3A_427 : vector<1x16xf32> to vector<16xf32>
      %mul3A_429 = arith.mulf %max3A_423, %get3A_428 : vector<16xf32>
      %add3A_430 = arith.addf %add3A_393, %mul3A_429 : vector<16xf32>
      %get3A_431 = arith.constant 128 : index
      %get3A_432 = tpu.vector_load %arg27[%get3A_431] {strides = array<i32>} : memref<256xf32, #tpu.memory_space<vmem>>, vector<16xf32>,
      %get3A_433 = vector.shape_cast %get3A_432 : vector<16xf32> to vector<16xf32>
      %add3A_434 = arith.addf %get3A_433, %max3A_423 : vector<16xf32>
      %swap3A_435 = arith.constant 128 : index
      %swap3A_436 = tpu.vector_load %arg27[%swap3A_435] {strides = array<i32>} : memref<256xf32, #tpu.memory_space<vmem>>, vector<16xf32>,
      %swap3A_437 = vector.shape_cast %swap3A_436 : vector<16xf32> to vector<16xf32>
      %swap3A_438 = vector.shape_cast %add3A_434 : vector<16xf32> to vector<16xf32>
      tpu.vector_store %arg27[%swap3A_435], %swap3A_438 {strides = array<i32>} : memref<256xf32, #tpu.memory_space<vmem>>, vector<16xf32>,
      %get3A_439 = arith.constant 9 : i32
      %get3A_440 = arith.index_cast %get3A_439 : i32 to index
      %get3A_441 = arith.constant 0 : index
      %get3A_442 = tpu.vector_load %arg13[%get3A_440, %get3A_441] {strides = array<i32>} : memref<16x16xf32, #tpu.memory_space<vmem>>, vector<1x16xf32>,
      %get3A_443 = vector.shape_cast %get3A_442 : vector<1x16xf32> to vector<16xf32>
      %mul3A_444 = arith.mulf %get3A_103, %get3A_443 : vector<16xf32>
      %get3A_445 = arith.constant 9 : i32
      %get3A_446 = arith.index_cast %get3A_445 : i32 to index
      %get3A_447 = arith.constant 0 : index
      %get3A_448 = tpu.vector_load %arg14[%get3A_446, %get3A_447] {strides = array<i32>} : memref<16x16xf32, #tpu.memory_space<vmem>>, vector<1x16xf32>,
      %get3A_449 = vector.shape_cast %get3A_448 : vector<1x16xf32> to vector<16xf32>
      %mul3A_450 = arith.mulf %get3A_108, %get3A_449 : vector<16xf32>
      %add3A_451 = arith.addf %mul3A_444, %mul3A_450 : vector<16xf32>
      %get3A_452 = arith.constant 9 : i32
      %get3A_453 = arith.index_cast %get3A_452 : i32 to index
      %get3A_454 = arith.constant 0 : index
      %get3A_455 = tpu.vector_load %arg15[%get3A_453, %get3A_454] {strides = array<i32>} : memref<16x16xf32, #tpu.memory_space<vmem>>, vector<1x16xf32>,
      %get3A_456 = vector.shape_cast %get3A_455 : vector<1x16xf32> to vector<16xf32>
      %add3A_457 = arith.addf %add3A_451, %get3A_456 : vector<16xf32>
      %max3A_458 = arith.constant 0.000000e+00 : f32
      %max3A_459 = vector.broadcast %max3A_458 : f32 to vector<16xf32>
      %max3A_460 = arith.maximumf %add3A_457, %max3A_459 : vector<16xf32>
      %get3A_461 = arith.constant 9 : i32
      %get3A_462 = arith.index_cast %get3A_461 : i32 to index
      %get3A_463 = arith.constant 0 : index
      %get3A_464 = tpu.vector_load %arg16[%get3A_462, %get3A_463] {strides = array<i32>} : memref<16x16xf32, #tpu.memory_space<vmem>>, vector<1x16xf32>,
      %get3A_465 = vector.shape_cast %get3A_464 : vector<1x16xf32> to vector<16xf32>
      %mul3A_466 = arith.mulf %max3A_460, %get3A_465 : vector<16xf32>
      %add3A_467 = arith.addf %add3A_430, %mul3A_466 : vector<16xf32>
      %get3A_468 = arith.constant 144 : index
      %get3A_469 = tpu.vector_load %arg27[%get3A_468] {strides = array<i32>} : memref<256xf32, #tpu.memory_space<vmem>>, vector<16xf32>,
      %get3A_470 = vector.shape_cast %get3A_469 : vector<16xf32> to vector<16xf32>
      %add3A_471 = arith.addf %get3A_470, %max3A_460 : vector<16xf32>
      %swap3A_472 = arith.constant 144 : index
      %swap3A_473 = tpu.vector_load %arg27[%swap3A_472] {strides = array<i32>} : memref<256xf32, #tpu.memory_space<vmem>>, vector<16xf32>,
      %swap3A_474 = vector.shape_cast %swap3A_473 : vector<16xf32> to vector<16xf32>
      %swap3A_475 = vector.shape_cast %add3A_471 : vector<16xf32> to vector<16xf32>
      tpu.vector_store %arg27[%swap3A_472], %swap3A_475 {strides = array<i32>} : memref<256xf32, #tpu.memory_space<vmem>>, vector<16xf32>,
      %get3A_476 = arith.constant 10 : i32
      %get3A_477 = arith.index_cast %get3A_476 : i32 to index
      %get3A_478 = arith.constant 0 : index
      %get3A_479 = tpu.vector_load %arg13[%get3A_477, %get3A_478] {strides = array<i32>} : memref<16x16xf32, #tpu.memory_space<vmem>>, vector<1x16xf32>,
      %get3A_480 = vector.shape_cast %get3A_479 : vector<1x16xf32> to vector<16xf32>
      %mul3A_481 = arith.mulf %get3A_103, %get3A_480 : vector<16xf32>
      %get3A_482 = arith.constant 10 : i32
      %get3A_483 = arith.index_cast %get3A_482 : i32 to index
      %get3A_484 = arith.constant 0 : index
      %get3A_485 = tpu.vector_load %arg14[%get3A_483, %get3A_484] {strides = array<i32>} : memref<16x16xf32, #tpu.memory_space<vmem>>, vector<1x16xf32>,
      %get3A_486 = vector.shape_cast %get3A_485 : vector<1x16xf32> to vector<16xf32>
      %mul3A_487 = arith.mulf %get3A_108, %get3A_486 : vector<16xf32>
      %add3A_488 = arith.addf %mul3A_481, %mul3A_487 : vector<16xf32>
      %get3A_489 = arith.constant 10 : i32
      %get3A_490 = arith.index_cast %get3A_489 : i32 to index
      %get3A_491 = arith.constant 0 : index
      %get3A_492 = tpu.vector_load %arg15[%get3A_490, %get3A_491] {strides = array<i32>} : memref<16x16xf32, #tpu.memory_space<vmem>>, vector<1x16xf32>,
      %get3A_493 = vector.shape_cast %get3A_492 : vector<1x16xf32> to vector<16xf32>
      %add3A_494 = arith.addf %add3A_488, %get3A_493 : vector<16xf32>
      %max3A_495 = arith.constant 0.000000e+00 : f32
      %max3A_496 = vector.broadcast %max3A_495 : f32 to vector<16xf32>
      %max3A_497 = arith.maximumf %add3A_494, %max3A_496 : vector<16xf32>
      %get3A_498 = arith.constant 10 : i32
      %get3A_499 = arith.index_cast %get3A_498 : i32 to index
      %get3A_500 = arith.constant 0 : index
      %get3A_501 = tpu.vector_load %arg16[%get3A_499, %get3A_500] {strides = array<i32>} : memref<16x16xf32, #tpu.memory_space<vmem>>, vector<1x16xf32>,
      %get3A_502 = vector.shape_cast %get3A_501 : vector<1x16xf32> to vector<16xf32>
      %mul3A_503 = arith.mulf %max3A_497, %get3A_502 : vector<16xf32>
      %add3A_504 = arith.addf %add3A_467, %mul3A_503 : vector<16xf32>
      %get3A_505 = arith.constant 160 : index
      %get3A_506 = tpu.vector_load %arg27[%get3A_505] {strides = array<i32>} : memref<256xf32, #tpu.memory_space<vmem>>, vector<16xf32>,
      %get3A_507 = vector.shape_cast %get3A_506 : vector<16xf32> to vector<16xf32>
      %add3A_508 = arith.addf %get3A_507, %max3A_497 : vector<16xf32>
      %swap3A_509 = arith.constant 160 : index
      %swap3A_510 = tpu.vector_load %arg27[%swap3A_509] {strides = array<i32>} : memref<256xf32, #tpu.memory_space<vmem>>, vector<16xf32>,
      %swap3A_511 = vector.shape_cast %swap3A_510 : vector<16xf32> to vector<16xf32>
      %swap3A_512 = vector.shape_cast %add3A_508 : vector<16xf32> to vector<16xf32>
      tpu.vector_store %arg27[%swap3A_509], %swap3A_512 {strides = array<i32>} : memref<256xf32, #tpu.memory_space<vmem>>, vector<16xf32>,
      %get3A_513 = arith.constant 11 : i32
      %get3A_514 = arith.index_cast %get3A_513 : i32 to index
      %get3A_515 = arith.constant 0 : index
      %get3A_516 = tpu.vector_load %arg13[%get3A_514, %get3A_515] {strides = array<i32>} : memref<16x16xf32, #tpu.memory_space<vmem>>, vector<1x16xf32>,
      %get3A_517 = vector.shape_cast %get3A_516 : vector<1x16xf32> to vector<16xf32>
      %mul3A_518 = arith.mulf %get3A_103, %get3A_517 : vector<16xf32>
      %get3A_519 = arith.constant 11 : i32
      %get3A_520 = arith.index_cast %get3A_519 : i32 to index
      %get3A_521 = arith.constant 0 : index
      %get3A_522 = tpu.vector_load %arg14[%get3A_520, %get3A_521] {strides = array<i32>} : memref<16x16xf32, #tpu.memory_space<vmem>>, vector<1x16xf32>,
      %get3A_523 = vector.shape_cast %get3A_522 : vector<1x16xf32> to vector<16xf32>
      %mul3A_524 = arith.mulf %get3A_108, %get3A_523 : vector<16xf32>
      %add3A_525 = arith.addf %mul3A_518, %mul3A_524 : vector<16xf32>
      %get3A_526 = arith.constant 11 : i32
      %get3A_527 = arith.index_cast %get3A_526 : i32 to index
      %get3A_528 = arith.constant 0 : index
      %get3A_529 = tpu.vector_load %arg15[%get3A_527, %get3A_528] {strides = array<i32>} : memref<16x16xf32, #tpu.memory_space<vmem>>, vector<1x16xf32>,
      %get3A_530 = vector.shape_cast %get3A_529 : vector<1x16xf32> to vector<16xf32>
      %add3A_531 = arith.addf %add3A_525, %get3A_530 : vector<16xf32>
      %max3A_532 = arith.constant 0.000000e+00 : f32
      %max3A_533 = vector.broadcast %max3A_532 : f32 to vector<16xf32>
      %max3A_534 = arith.maximumf %add3A_531, %max3A_533 : vector<16xf32>
      %get3A_535 = arith.constant 11 : i32
      %get3A_536 = arith.index_cast %get3A_535 : i32 to index
      %get3A_537 = arith.constant 0 : index
      %get3A_538 = tpu.vector_load %arg16[%get3A_536, %get3A_537] {strides = array<i32>} : memref<16x16xf32, #tpu.memory_space<vmem>>, vector<1x16xf32>,
      %get3A_539 = vector.shape_cast %get3A_538 : vector<1x16xf32> to vector<16xf32>
      %mul3A_540 = arith.mulf %max3A_534, %get3A_539 : vector<16xf32>
      %add3A_541 = arith.addf %add3A_504, %mul3A_540 : vector<16xf32>
      %get3A_542 = arith.constant 176 : index
      %get3A_543 = tpu.vector_load %arg27[%get3A_542] {strides = array<i32>} : memref<256xf32, #tpu.memory_space<vmem>>, vector<16xf32>,
      %get3A_544 = vector.shape_cast %get3A_543 : vector<16xf32> to vector<16xf32>
      %add3A_545 = arith.addf %get3A_544, %max3A_534 : vector<16xf32>
      %swap3A_546 = arith.constant 176 : index
      %swap3A_547 = tpu.vector_load %arg27[%swap3A_546] {strides = array<i32>} : memref<256xf32, #tpu.memory_space<vmem>>, vector<16xf32>,
      %swap3A_548 = vector.shape_cast %swap3A_547 : vector<16xf32> to vector<16xf32>
      %swap3A_549 = vector.shape_cast %add3A_545 : vector<16xf32> to vector<16xf32>
      tpu.vector_store %arg27[%swap3A_546], %swap3A_549 {strides = array<i32>} : memref<256xf32, #tpu.memory_space<vmem>>, vector<16xf32>,
      %get3A_550 = arith.constant 12 : i32
      %get3A_551 = arith.index_cast %get3A_550 : i32 to index
      %get3A_552 = arith.constant 0 : index
      %get3A_553 = tpu.vector_load %arg13[%get3A_551, %get3A_552] {strides = array<i32>} : memref<16x16xf32, #tpu.memory_space<vmem>>, vector<1x16xf32>,
      %get3A_554 = vector.shape_cast %get3A_553 : vector<1x16xf32> to vector<16xf32>
      %mul3A_555 = arith.mulf %get3A_103, %get3A_554 : vector<16xf32>
      %get3A_556 = arith.constant 12 : i32
      %get3A_557 = arith.index_cast %get3A_556 : i32 to index
      %get3A_558 = arith.constant 0 : index
      %get3A_559 = tpu.vector_load %arg14[%get3A_557, %get3A_558] {strides = array<i32>} : memref<16x16xf32, #tpu.memory_space<vmem>>, vector<1x16xf32>,
      %get3A_560 = vector.shape_cast %get3A_559 : vector<1x16xf32> to vector<16xf32>
      %mul3A_561 = arith.mulf %get3A_108, %get3A_560 : vector<16xf32>
      %add3A_562 = arith.addf %mul3A_555, %mul3A_561 : vector<16xf32>
      %get3A_563 = arith.constant 12 : i32
      %get3A_564 = arith.index_cast %get3A_563 : i32 to index
      %get3A_565 = arith.constant 0 : index
      %get3A_566 = tpu.vector_load %arg15[%get3A_564, %get3A_565] {strides = array<i32>} : memref<16x16xf32, #tpu.memory_space<vmem>>, vector<1x16xf32>,
      %get3A_567 = vector.shape_cast %get3A_566 : vector<1x16xf32> to vector<16xf32>
      %add3A_568 = arith.addf %add3A_562, %get3A_567 : vector<16xf32>
      %max3A_569 = arith.constant 0.000000e+00 : f32
      %max3A_570 = vector.broadcast %max3A_569 : f32 to vector<16xf32>
      %max3A_571 = arith.maximumf %add3A_568, %max3A_570 : vector<16xf32>
      %get3A_572 = arith.constant 12 : i32
      %get3A_573 = arith.index_cast %get3A_572 : i32 to index
      %get3A_574 = arith.constant 0 : index
      %get3A_575 = tpu.vector_load %arg16[%get3A_573, %get3A_574] {strides = array<i32>} : memref<16x16xf32, #tpu.memory_space<vmem>>, vector<1x16xf32>,
      %get3A_576 = vector.shape_cast %get3A_575 : vector<1x16xf32> to vector<16xf32>
      %mul3A_577 = arith.mulf %max3A_571, %get3A_576 : vector<16xf32>
      %add3A_578 = arith.addf %add3A_541, %mul3A_577 : vector<16xf32>
      %get3A_579 = arith.constant 192 : index
      %get3A_580 = tpu.vector_load %arg27[%get3A_579] {strides = array<i32>} : memref<256xf32, #tpu.memory_space<vmem>>, vector<16xf32>,
      %get3A_581 = vector.shape_cast %get3A_580 : vector<16xf32> to vector<16xf32>
      %add3A_582 = arith.addf %get3A_581, %max3A_571 : vector<16xf32>
      %swap3A_583 = arith.constant 192 : index
      %swap3A_584 = tpu.vector_load %arg27[%swap3A_583] {strides = array<i32>} : memref<256xf32, #tpu.memory_space<vmem>>, vector<16xf32>,
      %swap3A_585 = vector.shape_cast %swap3A_584 : vector<16xf32> to vector<16xf32>
      %swap3A_586 = vector.shape_cast %add3A_582 : vector<16xf32> to vector<16xf32>
      tpu.vector_store %arg27[%swap3A_583], %swap3A_586 {strides = array<i32>} : memref<256xf32, #tpu.memory_space<vmem>>, vector<16xf32>,
      %get3A_587 = arith.constant 13 : i32
      %get3A_588 = arith.index_cast %get3A_587 : i32 to index
      %get3A_589 = arith.constant 0 : index
      %get3A_590 = tpu.vector_load %arg13[%get3A_588, %get3A_589] {strides = array<i32>} : memref<16x16xf32, #tpu.memory_space<vmem>>, vector<1x16xf32>,
      %get3A_591 = vector.shape_cast %get3A_590 : vector<1x16xf32> to vector<16xf32>
      %mul3A_592 = arith.mulf %get3A_103, %get3A_591 : vector<16xf32>
      %get3A_593 = arith.constant 13 : i32
      %get3A_594 = arith.index_cast %get3A_593 : i32 to index
      %get3A_595 = arith.constant 0 : index
      %get3A_596 = tpu.vector_load %arg14[%get3A_594, %get3A_595] {strides = array<i32>} : memref<16x16xf32, #tpu.memory_space<vmem>>, vector<1x16xf32>,
      %get3A_597 = vector.shape_cast %get3A_596 : vector<1x16xf32> to vector<16xf32>
      %mul3A_598 = arith.mulf %get3A_108, %get3A_597 : vector<16xf32>
      %add3A_599 = arith.addf %mul3A_592, %mul3A_598 : vector<16xf32>
      %get3A_600 = arith.constant 13 : i32
      %get3A_601 = arith.index_cast %get3A_600 : i32 to index
      %get3A_602 = arith.constant 0 : index
      %get3A_603 = tpu.vector_load %arg15[%get3A_601, %get3A_602] {strides = array<i32>} : memref<16x16xf32, #tpu.memory_space<vmem>>, vector<1x16xf32>,
      %get3A_604 = vector.shape_cast %get3A_603 : vector<1x16xf32> to vector<16xf32>
      %add3A_605 = arith.addf %add3A_599, %get3A_604 : vector<16xf32>
      %max3A_606 = arith.constant 0.000000e+00 : f32
      %max3A_607 = vector.broadcast %max3A_606 : f32 to vector<16xf32>
      %max3A_608 = arith.maximumf %add3A_605, %max3A_607 : vector<16xf32>
      %get3A_609 = arith.constant 13 : i32
      %get3A_610 = arith.index_cast %get3A_609 : i32 to index
      %get3A_611 = arith.constant 0 : index
      %get3A_612 = tpu.vector_load %arg16[%get3A_610, %get3A_611] {strides = array<i32>} : memref<16x16xf32, #tpu.memory_space<vmem>>, vector<1x16xf32>,
      %get3A_613 = vector.shape_cast %get3A_612 : vector<1x16xf32> to vector<16xf32>
      %mul3A_614 = arith.mulf %max3A_608, %get3A_613 : vector<16xf32>
      %add3A_615 = arith.addf %add3A_578, %mul3A_614 : vector<16xf32>
      %get3A_616 = arith.constant 208 : index
      %get3A_617 = tpu.vector_load %arg27[%get3A_616] {strides = array<i32>} : memref<256xf32, #tpu.memory_space<vmem>>, vector<16xf32>,
      %get3A_618 = vector.shape_cast %get3A_617 : vector<16xf32> to vector<16xf32>
      %add3A_619 = arith.addf %get3A_618, %max3A_608 : vector<16xf32>
      %swap3A_620 = arith.constant 208 : index
      %swap3A_621 = tpu.vector_load %arg27[%swap3A_620] {strides = array<i32>} : memref<256xf32, #tpu.memory_space<vmem>>, vector<16xf32>,
      %swap3A_622 = vector.shape_cast %swap3A_621 : vector<16xf32> to vector<16xf32>
      %swap3A_623 = vector.shape_cast %add3A_619 : vector<16xf32> to vector<16xf32>
      tpu.vector_store %arg27[%swap3A_620], %swap3A_623 {strides = array<i32>} : memref<256xf32, #tpu.memory_space<vmem>>, vector<16xf32>,
      %get3A_624 = arith.constant 14 : i32
      %get3A_625 = arith.index_cast %get3A_624 : i32 to index
      %get3A_626 = arith.constant 0 : index
      %get3A_627 = tpu.vector_load %arg13[%get3A_625, %get3A_626] {strides = array<i32>} : memref<16x16xf32, #tpu.memory_space<vmem>>, vector<1x16xf32>,
      %get3A_628 = vector.shape_cast %get3A_627 : vector<1x16xf32> to vector<16xf32>
      %mul3A_629 = arith.mulf %get3A_103, %get3A_628 : vector<16xf32>
      %get3A_630 = arith.constant 14 : i32
      %get3A_631 = arith.index_cast %get3A_630 : i32 to index
      %get3A_632 = arith.constant 0 : index
      %get3A_633 = tpu.vector_load %arg14[%get3A_631, %get3A_632] {strides = array<i32>} : memref<16x16xf32, #tpu.memory_space<vmem>>, vector<1x16xf32>,
      %get3A_634 = vector.shape_cast %get3A_633 : vector<1x16xf32> to vector<16xf32>
      %mul3A_635 = arith.mulf %get3A_108, %get3A_634 : vector<16xf32>
      %add3A_636 = arith.addf %mul3A_629, %mul3A_635 : vector<16xf32>
      %get3A_637 = arith.constant 14 : i32
      %get3A_638 = arith.index_cast %get3A_637 : i32 to index
      %get3A_639 = arith.constant 0 : index
      %get3A_640 = tpu.vector_load %arg15[%get3A_638, %get3A_639] {strides = array<i32>} : memref<16x16xf32, #tpu.memory_space<vmem>>, vector<1x16xf32>,
      %get3A_641 = vector.shape_cast %get3A_640 : vector<1x16xf32> to vector<16xf32>
      %add3A_642 = arith.addf %add3A_636, %get3A_641 : vector<16xf32>
      %max3A_643 = arith.constant 0.000000e+00 : f32
      %max3A_644 = vector.broadcast %max3A_643 : f32 to vector<16xf32>
      %max3A_645 = arith.maximumf %add3A_642, %max3A_644 : vector<16xf32>
      %get3A_646 = arith.constant 14 : i32
      %get3A_647 = arith.index_cast %get3A_646 : i32 to index
      %get3A_648 = arith.constant 0 : index
      %get3A_649 = tpu.vector_load %arg16[%get3A_647, %get3A_648] {strides = array<i32>} : memref<16x16xf32, #tpu.memory_space<vmem>>, vector<1x16xf32>,
      %get3A_650 = vector.shape_cast %get3A_649 : vector<1x16xf32> to vector<16xf32>
      %mul3A_651 = arith.mulf %max3A_645, %get3A_650 : vector<16xf32>
      %add3A_652 = arith.addf %add3A_615, %mul3A_651 : vector<16xf32>
      %get3A_653 = arith.constant 224 : index
      %get3A_654 = tpu.vector_load %arg27[%get3A_653] {strides = array<i32>} : memref<256xf32, #tpu.memory_space<vmem>>, vector<16xf32>,
      %get3A_655 = vector.shape_cast %get3A_654 : vector<16xf32> to vector<16xf32>
      %add3A_656 = arith.addf %get3A_655, %max3A_645 : vector<16xf32>
      %swap3A_657 = arith.constant 224 : index
      %swap3A_658 = tpu.vector_load %arg27[%swap3A_657] {strides = array<i32>} : memref<256xf32, #tpu.memory_space<vmem>>, vector<16xf32>,
      %swap3A_659 = vector.shape_cast %swap3A_658 : vector<16xf32> to vector<16xf32>
      %swap3A_660 = vector.shape_cast %add3A_656 : vector<16xf32> to vector<16xf32>
      tpu.vector_store %arg27[%swap3A_657], %swap3A_660 {strides = array<i32>} : memref<256xf32, #tpu.memory_space<vmem>>, vector<16xf32>,
      %get3A_661 = arith.constant 15 : i32
      %get3A_662 = arith.index_cast %get3A_661 : i32 to index
      %get3A_663 = arith.constant 0 : index
      %get3A_664 = tpu.vector_load %arg13[%get3A_662, %get3A_663] {strides = array<i32>} : memref<16x16xf32, #tpu.memory_space<vmem>>, vector<1x16xf32>,
      %get3A_665 = vector.shape_cast %get3A_664 : vector<1x16xf32> to vector<16xf32>
      %mul3A_666 = arith.mulf %get3A_103, %get3A_665 : vector<16xf32>
      %get3A_667 = arith.constant 15 : i32
      %get3A_668 = arith.index_cast %get3A_667 : i32 to index
      %get3A_669 = arith.constant 0 : index
      %get3A_670 = tpu.vector_load %arg14[%get3A_668, %get3A_669] {strides = array<i32>} : memref<16x16xf32, #tpu.memory_space<vmem>>, vector<1x16xf32>,
      %get3A_671 = vector.shape_cast %get3A_670 : vector<1x16xf32> to vector<16xf32>
      %mul3A_672 = arith.mulf %get3A_108, %get3A_671 : vector<16xf32>
      %add3A_673 = arith.addf %mul3A_666, %mul3A_672 : vector<16xf32>
      %get3A_674 = arith.constant 15 : i32
      %get3A_675 = arith.index_cast %get3A_674 : i32 to index
      %get3A_676 = arith.constant 0 : index
      %get3A_677 = tpu.vector_load %arg15[%get3A_675, %get3A_676] {strides = array<i32>} : memref<16x16xf32, #tpu.memory_space<vmem>>, vector<1x16xf32>,
      %get3A_678 = vector.shape_cast %get3A_677 : vector<1x16xf32> to vector<16xf32>
      %add3A_679 = arith.addf %add3A_673, %get3A_678 : vector<16xf32>
      %max3A_680 = arith.constant 0.000000e+00 : f32
      %max3A_681 = vector.broadcast %max3A_680 : f32 to vector<16xf32>
      %max3A_682 = arith.maximumf %add3A_679, %max3A_681 : vector<16xf32>
      %get3A_683 = arith.constant 15 : i32
      %get3A_684 = arith.index_cast %get3A_683 : i32 to index
      %get3A_685 = arith.constant 0 : index
      %get3A_686 = tpu.vector_load %arg16[%get3A_684, %get3A_685] {strides = array<i32>} : memref<16x16xf32, #tpu.memory_space<vmem>>, vector<1x16xf32>,
      %get3A_687 = vector.shape_cast %get3A_686 : vector<1x16xf32> to vector<16xf32>
      %mul3A_688 = arith.mulf %max3A_682, %get3A_687 : vector<16xf32>
      %add3A_689 = arith.addf %add3A_652, %mul3A_688 : vector<16xf32>
      %get3A_690 = arith.constant 240 : index
      %get3A_691 = tpu.vector_load %arg27[%get3A_690] {strides = array<i32>} : memref<256xf32, #tpu.memory_space<vmem>>, vector<16xf32>,
      %get3A_692 = vector.shape_cast %get3A_691 : vector<16xf32> to vector<16xf32>
      %add3A_693 = arith.addf %get3A_692, %max3A_682 : vector<16xf32>
      %swap3A_694 = arith.constant 240 : index
      %swap3A_695 = tpu.vector_load %arg27[%swap3A_694] {strides = array<i32>} : memref<256xf32, #tpu.memory_space<vmem>>, vector<16xf32>,
      %swap3A_696 = vector.shape_cast %swap3A_695 : vector<16xf32> to vector<16xf32>
      %swap3A_697 = vector.shape_cast %add3A_693 : vector<16xf32> to vector<16xf32>
      tpu.vector_store %arg27[%swap3A_694], %swap3A_697 {strides = array<i32>} : memref<256xf32, #tpu.memory_space<vmem>>, vector<16xf32>,
      %mul3A_698 = arith.constant 16 : i32
      %mul3A_699 = arith.muli %scan3A_98, %mul3A_698 : i32
      %swap3A_700 = arith.index_cast %mul3A_699 : i32 to index
      %swap3A_701 = tpu.vector_load %arg25[%swap3A_700] {strides = array<i32>} : memref<2000xf32, #tpu.memory_space<vmem>>, vector<16xf32>,
      %swap3A_702 = vector.shape_cast %swap3A_701 : vector<16xf32> to vector<16xf32>
      %swap3A_703 = vector.shape_cast %add3A_689 : vector<16xf32> to vector<16xf32>
      tpu.vector_store %arg25[%swap3A_700], %swap3A_703 {strides = array<i32>} : memref<2000xf32, #tpu.memory_space<vmem>>, vector<16xf32>,
      %scan3A_704 = arith.constant 0 : i32
      scf.yield %scan3A_704 : i32
    }
    %scan3A_80 = arith.constant 125 : i32
    "tpu.region"() ({
      %run_scoped3A = tpu.sem_alloc : memref<!tpu.dma_semaphore, #tpu.memory_space<semaphore_mem>>
      %dma_start3A = arith.constant 0 : i32
      %dma_start3A_98 = tpu.memref_slice %arg10[%arg1, %dma_start3A] : memref<16x256xf32, #tpu.memory_space<hbm>> -> memref<1x256xf32, #tpu.memory_space<hbm>>
      %dma_start3A_99 = tpu.memref_squeeze %dma_start3A_98 : memref<1x256xf32, #tpu.memory_space<hbm>> -> memref<256xf32, #tpu.memory_space<hbm>>
      %dma_start3A_100 = arith.constant 0 : i32
      %dma_start3A_101 = tpu.memref_slice %arg10[%arg1, %dma_start3A_100] : memref<16x256xf32, #tpu.memory_space<hbm>> -> memref<1x256xf32, #tpu.memory_space<hbm>>
      %dma_start3A_102 = tpu.memref_squeeze %dma_start3A_101 : memref<1x256xf32, #tpu.memory_space<hbm>> -> memref<256xf32, #tpu.memory_space<hbm>>
      tpu.enqueue_dma source(%arg27 : memref<256xf32, #tpu.memory_space<vmem>>) target(%dma_start3A_102 : memref<256xf32, #tpu.memory_space<hbm>>) target_semaphore(%run_scoped3A : memref<!tpu.dma_semaphore, #tpu.memory_space<semaphore_mem>>)
      %dma_wait3A = arith.constant 0 : i32
      %dma_wait3A_103 = tpu.memref_slice %arg10[%arg1, %dma_wait3A] : memref<16x256xf32, #tpu.memory_space<hbm>> -> memref<1x256xf32, #tpu.memory_space<hbm>>
      %dma_wait3A_104 = tpu.memref_squeeze %dma_wait3A_103 : memref<1x256xf32, #tpu.memory_space<hbm>> -> memref<256xf32, #tpu.memory_space<hbm>>
      %dma_wait3A_105 = arith.constant 0 : i32
      %dma_wait3A_106 = tpu.memref_slice %arg10[%arg1, %dma_wait3A_105] : memref<16x256xf32, #tpu.memory_space<hbm>> -> memref<1x256xf32, #tpu.memory_space<hbm>>
      %dma_wait3A_107 = tpu.memref_squeeze %dma_wait3A_106 : memref<1x256xf32, #tpu.memory_space<hbm>> -> memref<256xf32, #tpu.memory_space<hbm>>
      tpu.wait_dma2 semaphore(%run_scoped3A : memref<!tpu.dma_semaphore, #tpu.memory_space<semaphore_mem>>) src(%arg27 : memref<256xf32, #tpu.memory_space<vmem>>) dst(%dma_wait3A_107 : memref<256xf32, #tpu.memory_space<hbm>>)
      tpu.yield
    }) : () -> ()
    %barrier3A_81 = arith.constant 0 : index
    tpu.barrier barrier_id(%barrier3A_81)
    "tpu.region"() ({
      %run_scoped3A = tpu.sem_alloc : memref<!tpu.dma_semaphore, #tpu.memory_space<semaphore_mem>>
      %dma_start3A = tpu.memref_slice %arg30[%mul3A_0] : memref<32000xf32, #tpu.memory_space<vmem_shared>> -> memref<2000xf32, #tpu.memory_space<vmem_shared>>
      %dma_start3A_98 = tpu.memref_slice %arg30[%mul3A_0] : memref<32000xf32, #tpu.memory_space<vmem_shared>> -> memref<2000xf32, #tpu.memory_space<vmem_shared>>
      tpu.enqueue_dma source(%arg25 : memref<2000xf32, #tpu.memory_space<vmem>>) target(%dma_start3A_98 : memref<2000xf32, #tpu.memory_space<vmem_shared>>) target_semaphore(%run_scoped3A : memref<!tpu.dma_semaphore, #tpu.memory_space<semaphore_mem>>)
      %dma_wait3A = tpu.memref_slice %arg30[%mul3A_0] : memref<32000xf32, #tpu.memory_space<vmem_shared>> -> memref<2000xf32, #tpu.memory_space<vmem_shared>>
      %dma_wait3A_99 = tpu.memref_slice %arg30[%mul3A_0] : memref<32000xf32, #tpu.memory_space<vmem_shared>> -> memref<2000xf32, #tpu.memory_space<vmem_shared>>
      tpu.wait_dma2 semaphore(%run_scoped3A : memref<!tpu.dma_semaphore, #tpu.memory_space<semaphore_mem>>) src(%arg25 : memref<2000xf32, #tpu.memory_space<vmem>>) dst(%dma_wait3A_99 : memref<2000xf32, #tpu.memory_space<vmem_shared>>)
      tpu.yield
    }) : () -> ()
    %scan3A_82 = arith.constant 0 : i32
    %scan3A_83 = arith.constant 0 : i32
    %scan3A_84 = arith.constant 125 : i32
    %scan3A_85 = arith.addi %scan3A_83, %scan3A_84 : i32
    %scan3A_86 = arith.constant 1 : i32
    %scan3A_87 = scf.for %scan3A_98 = %scan3A_83 to %scan3A_85 step %scan3A_86 iter_args(%scan3A_99 = %scan3A_82) -> (i32)  : i32 {
      %mul3A_100 = arith.constant 16 : i32
      %mul3A_101 = arith.muli %scan3A_98, %mul3A_100 : i32
      %mul3A_102 = arith.constant 16 : i32
      %mul3A_103 = arith.muli %scan3A_98, %mul3A_102 : i32
      %get3A = arith.index_cast %mul3A_103 : i32 to index
      %get3A_104 = tpu.vector_load %arg21[%get3A] {strides = array<i32>} : memref<2000xf32, #tpu.memory_space<vmem>>, vector<16xf32>,
      %get3A_105 = vector.shape_cast %get3A_104 : vector<16xf32> to vector<16xf32>
      %mul3A_106 = arith.constant 16 : i32
      %mul3A_107 = arith.muli %scan3A_98, %mul3A_106 : i32
      %get3A_108 = arith.index_cast %mul3A_107 : i32 to index
      %get3A_109 = tpu.vector_load %arg25[%get3A_108] {strides = array<i32>} : memref<2000xf32, #tpu.memory_space<vmem>>, vector<16xf32>,
      %get3A_110 = vector.shape_cast %get3A_109 : vector<16xf32> to vector<16xf32>
      %mul3A_111 = arith.mulf %get3A_105, %get3A_110 : vector<16xf32>
      %swap3A = arith.index_cast %mul3A_101 : i32 to index
      %swap3A_112 = tpu.vector_load %arg20[%swap3A] {strides = array<i32>} : memref<2000xf32, #tpu.memory_space<vmem>>, vector<16xf32>,
      %swap3A_113 = vector.shape_cast %swap3A_112 : vector<16xf32> to vector<16xf32>
      %swap3A_114 = vector.shape_cast %mul3A_111 : vector<16xf32> to vector<16xf32>
      tpu.vector_store %arg20[%swap3A], %swap3A_114 {strides = array<i32>} : memref<2000xf32, #tpu.memory_space<vmem>>, vector<16xf32>,
      %scan3A_115 = arith.constant 0 : i32
      scf.yield %scan3A_115 : i32
    }
    %scan3A_88 = arith.constant 125 : i32
    "tpu.region"() ({
      %run_scoped3A = tpu.sem_alloc : memref<!tpu.dma_semaphore, #tpu.memory_space<semaphore_mem>>
      %dma_start3A = tpu.memref_slice %arg28[%mul3A_0] : memref<32000xf32, #tpu.memory_space<vmem_shared>> -> memref<2000xf32, #tpu.memory_space<vmem_shared>>
      %dma_start3A_98 = tpu.memref_slice %arg28[%mul3A_0] : memref<32000xf32, #tpu.memory_space<vmem_shared>> -> memref<2000xf32, #tpu.memory_space<vmem_shared>>
      tpu.enqueue_dma source(%arg20 : memref<2000xf32, #tpu.memory_space<vmem>>) target(%dma_start3A_98 : memref<2000xf32, #tpu.memory_space<vmem_shared>>) target_semaphore(%run_scoped3A : memref<!tpu.dma_semaphore, #tpu.memory_space<semaphore_mem>>)
      %dma_wait3A = tpu.memref_slice %arg28[%mul3A_0] : memref<32000xf32, #tpu.memory_space<vmem_shared>> -> memref<2000xf32, #tpu.memory_space<vmem_shared>>
      %dma_wait3A_99 = tpu.memref_slice %arg28[%mul3A_0] : memref<32000xf32, #tpu.memory_space<vmem_shared>> -> memref<2000xf32, #tpu.memory_space<vmem_shared>>
      tpu.wait_dma2 semaphore(%run_scoped3A : memref<!tpu.dma_semaphore, #tpu.memory_space<semaphore_mem>>) src(%arg20 : memref<2000xf32, #tpu.memory_space<vmem>>) dst(%dma_wait3A_99 : memref<2000xf32, #tpu.memory_space<vmem_shared>>)
      tpu.yield
    }) : () -> ()
    %barrier3A_89 = arith.constant 0 : index
    tpu.barrier barrier_id(%barrier3A_89)
    "tpu.region"() ({
      %run_scoped3A = tpu.sem_alloc : memref<!tpu.dma_semaphore, #tpu.memory_space<semaphore_mem>>
      %dma_start3A = arith.constant 0 : i32
      %dma_start3A_98 = tpu.memref_slice %arg30[%dma_start3A] : memref<32000xf32, #tpu.memory_space<vmem_shared>> -> memref<32000xf32, #tpu.memory_space<vmem_shared>>
      tpu.enqueue_indirect_dma source(%dma_start3A_98 : memref<32000xf32, #tpu.memory_space<vmem_shared>>) target(%arg17 : memref<2000xf32, #tpu.memory_space<vmem>>) offsets(%arg11 : memref<2000xi32, #tpu.memory_space<vmem>>) semaphore(%run_scoped3A : memref<!tpu.dma_semaphore, #tpu.memory_space<semaphore_mem>>)
      %dma_wait3A = arith.constant 0 : i32
      %dma_wait3A_99 = tpu.memref_slice %arg30[%dma_wait3A] : memref<32000xf32, #tpu.memory_space<vmem_shared>> -> memref<32000xf32, #tpu.memory_space<vmem_shared>>
      tpu.wait_indirect_dma semaphore(%run_scoped3A : memref<!tpu.dma_semaphore, #tpu.memory_space<semaphore_mem>>) src(%dma_wait3A_99 : memref<32000xf32, #tpu.memory_space<vmem_shared>>) dst(%arg17 : memref<2000xf32, #tpu.memory_space<vmem>>)
      tpu.yield
    }) : () -> ()
    %scan3A_90 = arith.constant 0 : i32
    %scan3A_91 = arith.constant 0 : i32
    %scan3A_92 = arith.constant 125 : i32
    %scan3A_93 = arith.addi %scan3A_91, %scan3A_92 : i32
    %scan3A_94 = arith.constant 1 : i32
    %scan3A_95 = scf.for %scan3A_98 = %scan3A_91 to %scan3A_93 step %scan3A_94 iter_args(%scan3A_99 = %scan3A_90) -> (i32)  : i32 {
      %mul3A_100 = arith.constant 16 : i32
      %mul3A_101 = arith.muli %scan3A_98, %mul3A_100 : i32
      %mul3A_102 = arith.constant 16 : i32
      %mul3A_103 = arith.muli %scan3A_98, %mul3A_102 : i32
      %get3A = arith.index_cast %mul3A_103 : i32 to index
      %get3A_104 = tpu.vector_load %arg17[%get3A] {strides = array<i32>} : memref<2000xf32, #tpu.memory_space<vmem>>, vector<16xf32>,
      %get3A_105 = vector.shape_cast %get3A_104 : vector<16xf32> to vector<16xf32>
      %mul3A_106 = arith.constant 16 : i32
      %mul3A_107 = arith.muli %scan3A_98, %mul3A_106 : i32
      %get3A_108 = arith.index_cast %mul3A_107 : i32 to index
      %get3A_109 = tpu.vector_load %arg19[%get3A_108] {strides = array<i32>} : memref<2000xf32, #tpu.memory_space<vmem>>, vector<16xf32>,
      %get3A_110 = vector.shape_cast %get3A_109 : vector<16xf32> to vector<16xf32>
      %mul3A_111 = arith.mulf %get3A_105, %get3A_110 : vector<16xf32>
      %swap3A = arith.index_cast %mul3A_101 : i32 to index
      %swap3A_112 = tpu.vector_load %arg18[%swap3A] {strides = array<i32>} : memref<2000xf32, #tpu.memory_space<vmem>>, vector<16xf32>,
      %swap3A_113 = vector.shape_cast %swap3A_112 : vector<16xf32> to vector<16xf32>
      %swap3A_114 = vector.shape_cast %mul3A_111 : vector<16xf32> to vector<16xf32>
      tpu.vector_store %arg18[%swap3A], %swap3A_114 {strides = array<i32>} : memref<2000xf32, #tpu.memory_space<vmem>>, vector<16xf32>,
      %scan3A_115 = arith.constant 0 : i32
      scf.yield %scan3A_115 : i32
    }
    %scan3A_96 = arith.constant 125 : i32
    "tpu.region"() ({
      %run_scoped3A = tpu.sem_alloc : memref<!tpu.dma_semaphore, #tpu.memory_space<semaphore_mem>>
      %dma_start3A = arith.constant 0 : i32
      %dma_start3A_98 = tpu.memref_slice %arg28[%dma_start3A] : memref<32000xf32, #tpu.memory_space<vmem_shared>> -> memref<32000xf32, #tpu.memory_space<vmem_shared>>
      tpu.enqueue_indirect_dma source(%arg18 : memref<2000xf32, #tpu.memory_space<vmem>>) target(%dma_start3A_98 : memref<32000xf32, #tpu.memory_space<vmem_shared>>) offsets(%arg12 : memref<2000xi32, #tpu.memory_space<vmem>>) semaphore(%run_scoped3A : memref<!tpu.dma_semaphore, #tpu.memory_space<semaphore_mem>>) {add = true}
      %dma_wait3A = arith.constant 0 : i32
      %dma_wait3A_99 = tpu.memref_slice %arg28[%dma_wait3A] : memref<32000xf32, #tpu.memory_space<vmem_shared>> -> memref<32000xf32, #tpu.memory_space<vmem_shared>>
      tpu.wait_indirect_dma semaphore(%run_scoped3A : memref<!tpu.dma_semaphore, #tpu.memory_space<semaphore_mem>>) src(%arg18 : memref<2000xf32, #tpu.memory_space<vmem>>) dst(%dma_wait3A_99 : memref<32000xf32, #tpu.memory_space<vmem_shared>>)
      tpu.yield
    }) : () -> ()
    %barrier3A_97 = arith.constant 0 : index
    tpu.barrier barrier_id(%barrier3A_97)
    "tpu.region"() ({
      %run_scoped3A = tpu.sem_alloc : memref<!tpu.dma_semaphore, #tpu.memory_space<semaphore_mem>>
      %dma_start3A = tpu.memref_slice %arg28[%mul3A_0] : memref<32000xf32, #tpu.memory_space<vmem_shared>> -> memref<2000xf32, #tpu.memory_space<vmem_shared>>
      %dma_start3A_98 = tpu.memref_slice %arg28[%mul3A_0] : memref<32000xf32, #tpu.memory_space<vmem_shared>> -> memref<2000xf32, #tpu.memory_space<vmem_shared>>
      tpu.enqueue_dma source(%dma_start3A_98 : memref<2000xf32, #tpu.memory_space<vmem_shared>>) target(%arg26 : memref<2000xf32, #tpu.memory_space<vmem>>) target_semaphore(%run_scoped3A : memref<!tpu.dma_semaphore, #tpu.memory_space<semaphore_mem>>)
      %dma_wait3A = tpu.memref_slice %arg28[%mul3A_0] : memref<32000xf32, #tpu.memory_space<vmem_shared>> -> memref<2000xf32, #tpu.memory_space<vmem_shared>>
      %dma_wait3A_99 = tpu.memref_slice %arg28[%mul3A_0] : memref<32000xf32, #tpu.memory_space<vmem_shared>> -> memref<2000xf32, #tpu.memory_space<vmem_shared>>
      tpu.wait_dma2 semaphore(%run_scoped3A : memref<!tpu.dma_semaphore, #tpu.memory_space<semaphore_mem>>) src(%dma_wait3A_99 : memref<2000xf32, #tpu.memory_space<vmem_shared>>) dst(%arg26 : memref<2000xf32, #tpu.memory_space<vmem>>)
      tpu.yield
    }) : () -> ()
    "tpu.region"() ({
      %run_scoped3A = tpu.sem_alloc : memref<!tpu.dma_semaphore, #tpu.memory_space<semaphore_mem>>
      %dma_start3A = tpu.memref_slice %arg9[%mul3A_0] : memref<32000xf32, #tpu.memory_space<hbm>> -> memref<2000xf32, #tpu.memory_space<hbm>>
      %dma_start3A_98 = tpu.memref_slice %arg9[%mul3A_0] : memref<32000xf32, #tpu.memory_space<hbm>> -> memref<2000xf32, #tpu.memory_space<hbm>>
      tpu.enqueue_dma source(%arg26 : memref<2000xf32, #tpu.memory_space<vmem>>) target(%dma_start3A_98 : memref<2000xf32, #tpu.memory_space<hbm>>) target_semaphore(%run_scoped3A : memref<!tpu.dma_semaphore, #tpu.memory_space<semaphore_mem>>)
      %dma_wait3A = tpu.memref_slice %arg9[%mul3A_0] : memref<32000xf32, #tpu.memory_space<hbm>> -> memref<2000xf32, #tpu.memory_space<hbm>>
      %dma_wait3A_99 = tpu.memref_slice %arg9[%mul3A_0] : memref<32000xf32, #tpu.memory_space<hbm>> -> memref<2000xf32, #tpu.memory_space<hbm>>
      tpu.wait_dma2 semaphore(%run_scoped3A : memref<!tpu.dma_semaphore, #tpu.memory_space<semaphore_mem>>) src(%arg26 : memref<2000xf32, #tpu.memory_space<vmem>>) dst(%dma_wait3A_99 : memref<2000xf32, #tpu.memory_space<hbm>>)
      tpu.yield
    }) : () -> ()
    return
  }
}

module attributes {stable_mosaic.version = 14 : i64} {
  func.func @_tc_body(%arg0: i32, %arg1: memref<80x16000xf32, #tpu.memory_space<vmem>>, %arg2: memref<80x16000xf32, #tpu.memory_space<vmem>>, %arg3: memref<1x16000xf32, #tpu.memory_space<vmem>>, %arg4: memref<1x16000xf32, #tpu.memory_space<vmem>>, %arg5: memref<200x80xf32, #tpu.memory_space<vmem>>, %arg6: memref<1x1xf32, #tpu.memory_space<vmem>>, %arg7: memref<16x256xf32, #tpu.memory_space<vmem>>, %arg8: memref<256x16xf32, #tpu.memory_space<vmem>>, %arg9: memref<1x16xf32, #tpu.memory_space<vmem>>, %arg10: memref<1x1xf32, #tpu.memory_space<vmem>>, %arg11: memref<200x80xf32, #tpu.memory_space<vmem>>, %arg12: memref<1x1xf32, #tpu.memory_space<vmem>>, %arg13: memref<200x80xf32, #tpu.memory_space<vmem>>) attributes {dimension_semantics = [#tpu.dimension_semantics<arbitrary>], iteration_bounds = array<i64: 25>, scalar_prefetch = 0 : i64, scratch_operands = 1 : i64, tpu.core_type = #tpu.core_type<tc>, window_params = [{transform_indices = @transform_0, window_bounds = array<i64: 80, 16000>}, {transform_indices = @transform_1, window_bounds = array<i64: 80, 16000>}, {transform_indices = @transform_2, window_bounds = array<i64: 1, 16000>}, {transform_indices = @transform_3, window_bounds = array<i64: 1, 16000>}, {pipeline_mode = #tpu.pipeline_mode<synchronous>, transform_indices = @transform_4, window_bounds = array<i64: 200, 80>}, {pipeline_mode = #tpu.pipeline_mode<synchronous>, transform_indices = @transform_5, window_bounds = array<i64: 1, 1>}, {pipeline_mode = #tpu.pipeline_mode<synchronous>, transform_indices = @transform_6, window_bounds = array<i64: 16, 256>}, {pipeline_mode = #tpu.pipeline_mode<synchronous>, transform_indices = @transform_7, window_bounds = array<i64: 256, 16>}, {pipeline_mode = #tpu.pipeline_mode<synchronous>, transform_indices = @transform_8, window_bounds = array<i64: 1, 16>}, {pipeline_mode = #tpu.pipeline_mode<synchronous>, transform_indices = @transform_9, window_bounds = array<i64: 1, 1>}, {pipeline_mode = #tpu.pipeline_mode<synchronous>, transform_indices = @transform_10, window_bounds = array<i64: 200, 80>}, {pipeline_mode = #tpu.pipeline_mode<synchronous>, transform_indices = @transform_11, window_bounds = array<i64: 1, 1>}]} {
    %get3A = arith.constant 0 : index
    %get3A_0 = arith.constant 0 : index
    %get3A_1 = vector.load %arg6[%get3A, %get3A_0] : memref<1x1xf32, #tpu.memory_space<vmem>>, vector<1x1xf32>
    %get3A_2 = vector.extract %get3A_1[0, 0] : f32 from vector<1x1xf32>
    %get3A_3 = arith.constant 0 : index
    %get3A_4 = arith.constant 0 : index
    %get3A_5 = vector.load %arg1[%get3A_3, %get3A_4] : memref<80x16000xf32, #tpu.memory_space<vmem>>, vector<80x16000xf32>
    %get3A_6 = arith.constant 0 : index
    %get3A_7 = arith.constant 0 : index
    %get3A_8 = vector.load %arg3[%get3A_6, %get3A_7] : memref<1x16000xf32, #tpu.memory_space<vmem>>, vector<1x16000xf32>
    %add3A = vector.broadcast %get3A_2 : f32 to vector<1x16000xf32>
    %add3A_9 = arith.addf %get3A_8, %add3A : vector<1x16000xf32>
    %mul3A = vector.broadcast %add3A_9 : vector<1x16000xf32> to vector<80x16000xf32>
    %mul3A_10 = arith.mulf %get3A_5, %mul3A : vector<80x16000xf32>
    %reduce_sum3A = arith.constant dense<0.000000e+00> : vector<80xf32>
    %reduce_sum3A_11 = vector.multi_reduction <add>, %mul3A_10, %reduce_sum3A [1] : vector<80x16000xf32> to vector<80xf32>
    %get3A_12 = arith.constant 0 : index
    %get3A_13 = arith.constant 0 : index
    %get3A_14 = vector.load %arg2[%get3A_12, %get3A_13] : memref<80x16000xf32, #tpu.memory_space<vmem>>, vector<80x16000xf32>
    %get3A_15 = arith.constant 0 : index
    %get3A_16 = arith.constant 0 : index
    %get3A_17 = vector.load %arg4[%get3A_15, %get3A_16] : memref<1x16000xf32, #tpu.memory_space<vmem>>, vector<1x16000xf32>
    %add3A_18 = vector.broadcast %get3A_2 : f32 to vector<1x16000xf32>
    %add3A_19 = arith.addf %get3A_17, %add3A_18 : vector<1x16000xf32>
    %mul3A_20 = vector.broadcast %add3A_19 : vector<1x16000xf32> to vector<80x16000xf32>
    %mul3A_21 = arith.mulf %get3A_14, %mul3A_20 : vector<80x16000xf32>
    %reduce_sum3A_22 = arith.constant dense<0.000000e+00> : vector<80xf32>
    %reduce_sum3A_23 = vector.multi_reduction <add>, %mul3A_21, %reduce_sum3A_22 [1] : vector<80x16000xf32> to vector<80xf32>
    %add3A_24 = arith.addf %reduce_sum3A_11, %reduce_sum3A_23 : vector<80xf32>
    %broadcast_in_dim3A = vector.shape_cast %add3A_24 : vector<80xf32> to vector<1x80xf32>
    %broadcast_in_dim3A_25 = vector.shape_cast %broadcast_in_dim3A : vector<1x80xf32> to vector<1x80xf32>
    %broadcast_in_dim3A_26 = vector.broadcast %broadcast_in_dim3A_25 : vector<1x80xf32> to vector<8x80xf32>
    %mul3A_27 = arith.constant 8 : i32
    %mul3A_28 = arith.muli %arg0, %mul3A_27 : i32
    %swap3A = arith.index_cast %mul3A_28 : i32 to index
    %swap3A_29 = arith.constant 0 : index
    %swap3A_30 = vector.load %arg13[%swap3A, %swap3A_29] : memref<200x80xf32, #tpu.memory_space<vmem>>, vector<8x80xf32>
    tpu.vector_store %arg13[%swap3A, %swap3A_29], %broadcast_in_dim3A_26 {strides = array<i32>} : memref<200x80xf32, #tpu.memory_space<vmem>>, vector<8x80xf32>,
    %eq3A = arith.constant 24 : i32
    %eq3A_31 = arith.cmpi eq, %arg0, %eq3A : i32
    %convert_element_type3A = arith.extui %eq3A_31 : i1 to i32
    %cond3A = arith.constant 0 : i32
    %cond3A_32 = arith.cmpi ne, %convert_element_type3A, %cond3A : i32
    scf.if %cond3A_32 {
      %get3A_33 = arith.constant 0 : index
      %get3A_34 = arith.constant 0 : index
      %get3A_35 = vector.load %arg13[%get3A_33, %get3A_34] : memref<200x80xf32, #tpu.memory_space<vmem>>, vector<200x80xf32>
      %get3A_36 = arith.constant 0 : index
      %get3A_37 = arith.constant 0 : index
      %get3A_38 = vector.load %arg5[%get3A_36, %get3A_37] : memref<200x80xf32, #tpu.memory_space<vmem>>, vector<200x80xf32>
      %add3A_39 = arith.addf %get3A_35, %get3A_38 : vector<200x80xf32>
      %max3A = arith.constant 0.000000e+00 : f32
      %max3A_40 = vector.broadcast %max3A : f32 to vector<200x80xf32>
      %max3A_41 = arith.maximumf %add3A_39, %max3A_40 : vector<200x80xf32>
      %reduce_max3A = vector.shape_cast %max3A_41 : vector<200x80xf32> to vector<1x200x80xf32>
      %reduce_max3A_42 = arith.constant dense<0xFF800000> : vector<1xf32>
      %reduce_max3A_43 = vector.multi_reduction <maximumf>, %reduce_max3A, %reduce_max3A_42 [1, 2] : vector<1x200x80xf32> to vector<1xf32>
      %reduce_max3A_44 = vector.shape_cast %reduce_max3A_43 : vector<1xf32> to vector<1x1x1xf32>
      %reduce_max3A_45 = vector.extract %reduce_max3A_44[0, 0, 0] : f32 from vector<1x1x1xf32>
      %sub3A = vector.broadcast %reduce_max3A_45 : f32 to vector<200x80xf32>
      %sub3A_46 = arith.subf %max3A_41, %sub3A : vector<200x80xf32>
      %exp3A = math.exp %sub3A_46 : vector<200x80xf32>
      %reduce_sum3A_47 = vector.shape_cast %exp3A : vector<200x80xf32> to vector<1x200x80xf32>
      %reduce_sum3A_48 = arith.constant dense<0.000000e+00> : vector<1xf32>
      %reduce_sum3A_49 = vector.multi_reduction <add>, %reduce_sum3A_47, %reduce_sum3A_48 [1, 2] : vector<1x200x80xf32> to vector<1xf32>
      %reduce_sum3A_50 = vector.shape_cast %reduce_sum3A_49 : vector<1xf32> to vector<1x1x1xf32>
      %reduce_sum3A_51 = vector.extract %reduce_sum3A_50[0, 0, 0] : f32 from vector<1x1x1xf32>
      %div3A = arith.constant 8.000000e+00 : f32
      %div3A_52 = arith.divf %div3A, %reduce_sum3A_51 : f32
      %mul3A_53 = vector.broadcast %div3A_52 : f32 to vector<200x80xf32>
      %mul3A_54 = arith.mulf %exp3A, %mul3A_53 : vector<200x80xf32>
      %swap3A_55 = arith.constant 0 : index
      %swap3A_56 = arith.constant 0 : index
      %swap3A_57 = vector.load %arg11[%swap3A_55, %swap3A_56] : memref<200x80xf32, #tpu.memory_space<vmem>>, vector<200x80xf32>
      tpu.vector_store %arg11[%swap3A_55, %swap3A_56], %mul3A_54 {strides = array<i32>} : memref<200x80xf32, #tpu.memory_space<vmem>>, vector<200x80xf32>,
      %get3A_58 = arith.constant 0 : index
      %get3A_59 = arith.constant 0 : index
      %get3A_60 = vector.load %arg7[%get3A_58, %get3A_59] : memref<16x256xf32, #tpu.memory_space<vmem>>, vector<16x256xf32>
      %reduce_sum3A_61 = arith.constant dense<0.000000e+00> : vector<256xf32>
      %reduce_sum3A_62 = vector.multi_reduction <add>, %get3A_60, %reduce_sum3A_61 [0] : vector<16x256xf32> to vector<256xf32>
      %broadcast_in_dim3A_63 = vector.shape_cast %reduce_sum3A_62 : vector<256xf32> to vector<1x256xf32>
      %get3A_64 = arith.constant 0 : index
      %get3A_65 = arith.constant 0 : index
      %get3A_66 = vector.load %arg8[%get3A_64, %get3A_65] : memref<256x16xf32, #tpu.memory_space<vmem>>, vector<256x16xf32>
      %dot_general3A = arith.constant dense<0.000000e+00> : vector<1x16xf32>
      %dot_general3A_67 = tpu.matmul %broadcast_in_dim3A_63, %get3A_66, %dot_general3A {dimension_numbers = #tpu.dot_dimension_numbers<[1], [0], [0], [1], [0, 0, 1, 1], [], []>, transpose_lhs_hint = false} : vector<1x256xf32>, vector<256x16xf32>, vector<1x16xf32> -> vector<1x16xf32>
      %div3A_68 = arith.constant 3.200000e+04 : f32
      %div3A_69 = vector.broadcast %div3A_68 : f32 to vector<1x16xf32>
      %div3A_70 = arith.divf %dot_general3A_67, %div3A_69 : vector<1x16xf32>
      %squeeze3A = vector.shape_cast %div3A_70 : vector<1x16xf32> to vector<16xf32>
      %get3A_71 = arith.constant 0 : index
      %get3A_72 = arith.constant 0 : index
      %get3A_73 = vector.load %arg9[%get3A_71, %get3A_72] : memref<1x16xf32, #tpu.memory_space<vmem>>, vector<1x16xf32>
      %get3A_74 = vector.shape_cast %get3A_73 : vector<1x16xf32> to vector<16xf32>
      %mul3A_75 = arith.mulf %squeeze3A, %get3A_74 : vector<16xf32>
      %reduce_sum3A_76 = vector.shape_cast %mul3A_75 : vector<16xf32> to vector<1x16xf32>
      %reduce_sum3A_77 = arith.constant dense<0.000000e+00> : vector<1xf32>
      %reduce_sum3A_78 = vector.multi_reduction <add>, %reduce_sum3A_76, %reduce_sum3A_77 [1] : vector<1x16xf32> to vector<1xf32>
      %reduce_sum3A_79 = vector.shape_cast %reduce_sum3A_78 : vector<1xf32> to vector<1x1xf32>
      %reduce_sum3A_80 = vector.extract %reduce_sum3A_79[0, 0] : f32 from vector<1x1xf32>
      %get3A_81 = arith.constant 0 : index
      %get3A_82 = arith.constant 0 : index
      %get3A_83 = vector.load %arg10[%get3A_81, %get3A_82] : memref<1x1xf32, #tpu.memory_space<vmem>>, vector<1x1xf32>
      %get3A_84 = vector.extract %get3A_83[0, 0] : f32 from vector<1x1xf32>
      %add3A_85 = arith.addf %reduce_sum3A_80, %get3A_84 : f32
      %reshape3A = vector.broadcast %add3A_85 : f32 to vector<1x1xf32>
      %swap3A_86 = arith.constant 0 : index
      %swap3A_87 = arith.constant 0 : index
      %swap3A_88 = vector.load %arg12[%swap3A_86, %swap3A_87] : memref<1x1xf32, #tpu.memory_space<vmem>>, vector<1x1xf32>
      tpu.vector_store %arg12[%swap3A_86, %swap3A_87], %reshape3A {strides = array<i32>} : memref<1x1xf32, #tpu.memory_space<vmem>>, vector<1x1xf32>,
    } else {
    }
    return
  }
  func.func @transform_0(%arg0: i32) -> (i32, i32) {
    %c0_i32 = arith.constant 0 : i32
    %c0_i32_0 = arith.constant 0 : i32
    return %arg0, %c0_i32 : i32, i32
  }
  func.func @transform_1(%arg0: i32) -> (i32, i32) {
    %c1_i32 = arith.constant 1 : i32
    %c0_i32 = arith.constant 0 : i32
    return %arg0, %c1_i32 : i32, i32
  }
  func.func @transform_2(%arg0: i32) -> (i32, i32) {
    %c0_i32 = arith.constant 0 : i32
    %c0_i32_0 = arith.constant 0 : i32
    %c0_i32_1 = arith.constant 0 : i32
    return %c0_i32, %c0_i32_0 : i32, i32
  }
  func.func @transform_3(%arg0: i32) -> (i32, i32) {
    %c0_i32 = arith.constant 0 : i32
    %c1_i32 = arith.constant 1 : i32
    %c0_i32_0 = arith.constant 0 : i32
    return %c0_i32, %c1_i32 : i32, i32
  }
  func.func @transform_4(%arg0: i32) -> (i32, i32) {
    %c0_i32 = arith.constant 0 : i32
    %c0_i32_0 = arith.constant 0 : i32
    %c0_i32_1 = arith.constant 0 : i32
    return %c0_i32, %c0_i32_0 : i32, i32
  }
  func.func @transform_5(%arg0: i32) -> (i32, i32) {
    %c0_i32 = arith.constant 0 : i32
    %c0_i32_0 = arith.constant 0 : i32
    %c0_i32_1 = arith.constant 0 : i32
    return %c0_i32, %c0_i32_0 : i32, i32
  }
  func.func @transform_6(%arg0: i32) -> (i32, i32) {
    %c0_i32 = arith.constant 0 : i32
    %c0_i32_0 = arith.constant 0 : i32
    %c0_i32_1 = arith.constant 0 : i32
    return %c0_i32, %c0_i32_0 : i32, i32
  }
  func.func @transform_7(%arg0: i32) -> (i32, i32) {
    %c0_i32 = arith.constant 0 : i32
    %c0_i32_0 = arith.constant 0 : i32
    %c0_i32_1 = arith.constant 0 : i32
    return %c0_i32, %c0_i32_0 : i32, i32
  }
  func.func @transform_8(%arg0: i32) -> (i32, i32) {
    %c0_i32 = arith.constant 0 : i32
    %c0_i32_0 = arith.constant 0 : i32
    %c0_i32_1 = arith.constant 0 : i32
    return %c0_i32, %c0_i32_0 : i32, i32
  }
  func.func @transform_9(%arg0: i32) -> (i32, i32) {
    %c0_i32 = arith.constant 0 : i32
    %c0_i32_0 = arith.constant 0 : i32
    %c0_i32_1 = arith.constant 0 : i32
    return %c0_i32, %c0_i32_0 : i32, i32
  }
  func.func @transform_10(%arg0: i32) -> (i32, i32) {
    %c0_i32 = arith.constant 0 : i32
    %c0_i32_0 = arith.constant 0 : i32
    %c0_i32_1 = arith.constant 0 : i32
    return %c0_i32, %c0_i32_0 : i32, i32
  }
  func.func @transform_11(%arg0: i32) -> (i32, i32) {
    %c0_i32 = arith.constant 0 : i32
    %c0_i32_0 = arith.constant 0 : i32
    %c0_i32_1 = arith.constant 0 : i32
    return %c0_i32, %c0_i32_0 : i32, i32
  }
}

</mosaic_0001>

<sc_bundles>
// kernel: kernel.4.cloned.1.call-start
scs
__scs_entry_jumppad:
0x0: {  	(pc) =	sbr.rel $0x88, $3  }
0x1: {  	(tag) =	ssettag $0x0;
	lr =	simm.s32 $0x1  }
0x2: {  	[smem:$0x3F96] =	sst lr;
	_ =	strace $0xD0000000  }
0x3: {  	_ = 	snop  }
0x4: {  	_ = 	snop  }
0x5: {  	_ = 	snop  }
0x6: {  	_ = 	snop  }
0x7: {  	_ = 	snop  }
__scs_overlays_trampoline_lowered:
0x8: {  	[smem:$0x3FA5] =	sst s0  }
0x9: {  	[smem:$0x3FA6] =	sst s1  }
0xa: {  	[smem:$0x3FA7] =	sst s2  }
0xb: {  	[smem:$0x3FA8] =	sst s3  }
0xc: {  	[smem:$0x3FA9] =	sst s4  }
0xd: {  	[smem:$0x3FAA] =	sst s5  }
0xe: {  	[smem:$0x3FAB] =	sst s6  }
0xf: {  	[smem:$0x3FAC] =	sst s7  }
0x10: {  	[smem:$0x3FAD] =	sst s8  }
0x11: {  	[smem:$0x3FAE] =	sst s9;
	s0 =	simm.s32 @!p0 $0x0  }
0x12: {  	s1 =	sld [smem:$0x3F94];
	s0 =	simm.s32 @p0 $0x1  }
0x13: {  	[smem:$0x3FAF] =	sst s0;
	s0 =	simm.s32 @!p1 $0x0  }
0x14: {  	s2 =	sld [smem:$0x3F93];
	s0 =	simm.s32 @p1 $0x1  }
0x15: {  	[smem:$0x3FB0] =	sst s0;
	s0 =	simm.s32 @!p2 $0x0  }
0x16: {  	s3 =	sld [smem:$0x3FDB];
	s0 =	simm.s32 @p2 $0x1  }
0x17: {  	s4 =	simm.s32 $0x1BF5;
	[smem:$0x3FB2] =	sst s0  }
0x18: {  	s0 =	sld [smem:$0x3F95];
	_ =	swait.ge [sflag:s4], $0x0  }
0x19: {  	s7 =	sld [smem:$0x3F96]  }
0x1a: {  	s8 =	sadd.s32 $0xFFFFE003, lr  }
0x1b: {  	s9 =	sadd.s32 $0xFFFFFEF7, lr;
	s5 =	simm.s32 $0xFFFFFFFF;
	p2 =	slt.u32 s8, $0xFFFFF086  }
0x1c: {  	p1 =	slt.u32 s9, $0xF7A;
	s5 =	simm.s32 @!p2 $0x0  }
0x1d: {  	s5 =	simm.s32 @p1 $0x1;
	p0 =	seq.s32 s7, s2  }
0x1e: {  	s7 =	smul.u32 @!p0 $0xF7A, s2;
	p2 =	seq.s32 @!p0 s5, $0x0  }
0x1f: {  	s9 =	smul.u32 $0xF7A, s1;
	s8 =	simm.s32 @!p0 $0x1BF5;
	p2 =	por !p2, p0  }
0x20: {  	[sflag:s8] =	ssyncset.s32 @!p0 $0xFFFFF086;
	s6 =	sadd.s32 @!p0 s3, s7;
	s7 =	simm.s32 @!p0 $0x108  }
0x21: {  	s3 =	sadd.s32 s3, s9;
	s6 =	sadd.s32 @!p0 $0x88, s6;
	s7 =	simm.s32 @p2 $0x1082  }
0x22: {  	[simem:s7], [sflag:s8] =	dma.local @!p0 [hbm:s6], $0xF7A  }
0x23: {  	s9 =	sor.u32 $0xD0000000, s2;
	s6 =	simm.s32 $0x108;
	_ =	swait.ge @!p0 [sflag:s8], $0x0  }
0x24: {  	s3 =	sadd.s32 $0x88, s3;
	s6 =	simm.s32 @!p1 $0x1082;
	[sflag:s4] =	ssyncset.s32 $0xFFFFF086  }
0x25: {  	[simem:s6], [sflag:s4] =	dma.local [hbm:s3], $0xF7A  }
0x26: {  	[smem:$0x3F96] =	sst s1;
	(tag) =	ssettag s2;
	_ =	strace s9  }
0x27: {  	s1 =	sld [smem:$0x3FA6]  }
0x28: {  	s2 =	sld [smem:$0x3FA7]  }
0x29: {  	s4 =	sld [smem:$0x3FA9]  }
0x2a: {  	p0 =	seq.s32 s5, $0x0;
	s5 =	sld [smem:$0x3FAA]  }
0x2b: {  	s6 =	sld [smem:$0x3FAB]  }
0x2c: {  	s7 =	sld [smem:$0x3FAC]  }
0x2d: {  	s3 =	simm.s32 $0x108;
	s8 =	sld [smem:$0x3FAD]  }
0x2e: {  	s3 =	simm.s32 @!p0 $0x1082;
	s9 =	sld [smem:$0x3FAE]  }
0x2f: {  	lr =	sadd.s32 s0, s3;
	s0 =	sld [smem:$0x3FA5]  }
0x30: {  	s3 =	sld [smem:$0x3FA8]  }
0x31: {  	[smem:$0x3FB1] =	sst s10  }
0x32: {  	s10 =	sld [smem:$0x3FAF];
	_ =	sdelay $0x3  }
0x33: {  	p0 =	seq.s32 s10, $0x1;
	s10 =	sld [smem:$0x3FB1];
	_ =	sdelay $0x3  }
0x34: {  	[smem:$0x3FB1] =	sst s10  }
0x35: {  	s10 =	sld [smem:$0x3FB0];
	_ =	sdelay $0x3  }
0x36: {  	p1 =	seq.s32 s10, $0x1;
	s10 =	sld [smem:$0x3FB1];
	_ =	sdelay $0x3  }
0x37: {  	[smem:$0x3FB1] =	sst s10  }
0x38: {  	s10 =	sld [smem:$0x3FB2]  }
0x39: {  	_ = 	snop;
	(pc) =	sbr.ind lr, $3  }
0x3a: {  	_ = 	snop  }
0x3b: {  	_ = 	snop  }
0x3c: {  	p2 =	seq.s32 s10, $0x1;
	s10 =	sld [smem:$0x3FB1]  }
0x3d: {  	_ =	shalt  }
0x3e: {  	_ =	shalt  }
0x3f: {  	_ =	shalt  }
0x40: {  	_ =	shalt  }
0x41: {  	_ =	shalt  }
0x42: {  	_ =	shalt  }
0x43: {  	_ =	shalt  }
0x44: {  	_ =	shalt  }
0x45: {  	_ =	shalt  }
0x46: {  	_ =	shalt  }
0x47: {  	_ =	shalt  }
0x48: {  	_ =	shalt  }
0x49: {  	_ =	shalt  }
0x4a: {  	_ =	shalt  }
0x4b: {  	_ =	shalt  }
0x4c: {  	_ =	shalt  }
0x4d: {  	_ =	shalt  }
0x4e: {  	_ =	shalt  }
0x4f: {  	_ =	shalt  }
0x50: {  	_ =	shalt  }
0x51: {  	_ =	shalt  }
0x52: {  	_ =	shalt  }
0x53: {  	_ =	shalt  }
0x54: {  	_ =	shalt  }
0x55: {  	_ =	shalt  }
0x56: {  	_ =	shalt  }
0x57: {  	_ =	shalt  }
0x58: {  	_ =	shalt  }
0x59: {  	_ =	shalt  }
0x5a: {  	_ =	shalt  }
0x5b: {  	_ =	shalt  }
0x5c: {  	_ =	shalt  }
0x5d: {  	_ =	shalt  }
0x5e: {  	_ =	shalt  }
0x5f: {  	_ =	shalt  }
0x60: {  	_ =	shalt  }
0x61: {  	_ =	shalt  }
0x62: {  	_ =	shalt  }
0x63: {  	_ =	shalt  }
0x64: {  	_ =	shalt  }
0x65: {  	_ =	shalt  }
0x66: {  	_ =	shalt  }
0x67: {  	_ =	shalt  }
0x68: {  	_ =	shalt  }
0x69: {  	_ =	shalt  }
0x6a: {  	_ =	shalt  }
0x6b: {  	_ =	shalt  }
0x6c: {  	_ =	shalt  }
0x6d: {  	_ =	shalt  }
0x6e: {  	_ =	shalt  }
0x6f: {  	_ =	shalt  }
0x70: {  	_ =	shalt  }
0x71: {  	_ =	shalt  }
0x72: {  	_ =	shalt  }
0x73: {  	_ =	shalt  }
0x74: {  	_ =	shalt  }
0x75: {  	_ =	shalt  }
0x76: {  	_ =	shalt  }
0x77: {  	_ =	shalt  }
0x78: {  	_ =	shalt  }
0x79: {  	_ =	shalt  }
0x7a: {  	_ =	shalt  }
0x7b: {  	_ =	shalt  }
0x7c: {  	_ =	shalt  }
0x7d: {  	_ =	shalt  }
0x7e: {  	_ =	shalt  }
0x7f: {  	_ =	shalt  }
0x80: {  	_ =	shalt  }
0x81: {  	_ =	shalt  }
0x82: {  	_ =	shalt  }
0x83: {  	_ =	shalt  }
0x84: {  	_ =	shalt  }
0x85: {  	_ =	shalt  }
0x86: {  	_ =	shalt  }
0x87: {  	_ =	shalt  }
.Lfunc_end0:
.L_simem_size_0:
called_computation_lowered:
.L_overlay_start_0:
0x88: {  	s0 =	sld [smem:$0x3FD9]  }
0x89: {  	s1 =	sld [smem:$0x3FFE];
	_ =	sdelay $0x3  }
0x8a: {  	s0 =	sadd.s32 s1, s0  }
0x8b: {  	[smem:$0x3FBD] =	sst s0  }
0x8c: {  	_ = 	snop  }
0x8d: {  	s0 =	sld [smem:$0x3FD0];
	_ =	sdelay $0x2  }
0x8e: {  	s13 =	simm.s32 $0xA;
	s2 =	simm.s32 $0x10  }
0x8f: {  	[smem:s2], [sflag:s13] =	dma.local [hbm:s0], $0x1  }
0x90: {  	_ =	swait.eq [sflag:s13], $0x1  }
0x91: {  	[sflag:s13] =	ssyncset.done $0x0  }
0x92: {  	[sflag:s13] =	ssyncadd.s32 $0xFFFFFFFF  }
0x93: {  	s14 =	sld [smem:$0x10];
	(tm) =	ssettm $0x1  }
0x94: {  	s15 =	sld [smem:$0x3FFB];
	_ =	sdelay $0x3  }
0x95: {  	_ =	strace s15  }
0x96: {  	s1 =	sld [smem:$0x3FFC];
	_ =	sdelay $0x3  }
0x97: {  	_ =	strace s1  }
0x98: {  	s1 =	sld [smem:$0x3FFD];
	_ =	sdelay $0x3  }
0x99: {  	_ =	strace s1  }
0x9a: {  	_ =	strace $0x8FFFFFFF  }
0x9b: {  	s16 =	sld [smem:$0x3FDB];
	_ =	sdelay $0x1  }
0x9c: {  	s17 =	simm.s32 $_scs_section_size  }
0x9d: {  	s3 =	simm.s32 $_size__tile_overlayer_lowered;
	s4 =	simm.s32 $_tile_overlayer_lowered  }
0x9e: {  	s20 =	simm.s32 $0x1BFF;
	s19 =	sshll.u32 s4, $0x1;
	s1 =	sadd.s32 s17, s16  }
0x9f: {  	s5 =	simm.s32 $0x0;
	s18 =	sshll.u32 s3, $0x1;
	s3 =	sadd.s32 s19, s1  }
0xa0: {  	[timem:s5], [sflag:s20] =	dma.local [hbm:s3], s18  }
0xa1: {  	_ =	swait.ge [sflag:s20], s18  }
0xa2: {  	s2 =	ssub.s32 $0x0, s18;
	[sflag:s20] =	ssyncset.done $0x0  }
0xa3: {  	[sflag:s20] =	ssyncadd.s32 s2;
	_ =	sdelay $0x1  }
0xa4: {  	s21 =	simm.s32 $0x1B8B  }
0xa5: {  	_ =	swait.ge [sflag:s21], $0x1  }
0xa6: {  	[sflag:s21] =	ssyncset.done $0x0  }
0xa7: {  	s23 =	simm.s32 $0x1B8E;
	s22 =	sld [smem:$0x3FFE];
	[sflag:s21] =	ssyncadd.s32 $0xFFFFFFFF  }
0xa8: {  	s24 =	simm.s32 $execute0_lowered;
	[smem:$0x3FD2] =	sst s23  }
0xa9: {  	s3 =	sshll.u32 s24, $0x1;
	_ =	strace $0x80000046;
	[dreg:$0x1] =	wrdreg $0xFFFFFFFF  }
0xaa: {  	s25 =	simm.s32 $_size_execute0_lowered;
	s1 =	sadd.s32 s1, s3;
	[dreg:$0x0] =	wrdreg $0x0  }
0xab: {  	s3 =	sshll.u32 s25, $0x1;
	[dreg:$0x2] =	wrdreg s1  }
0xac: {  	[dreg:$0x3] =	wrdreg s3  }
0xad: {  	[dreg:$0x4] =	wrdreg $0xC0  }
0xae: {  	_ =	task [dreg:s5], $0x5FFFF  }
0xaf: {  	[dreg:$0x1] =	wrdreg $0xFFFFFFFF  }
0xb0: {  	[dreg:$0x0] =	wrdreg $0x60  }
0xb1: {  	[dreg:$0x2] =	wrdreg s22  }
0xb2: {  	[dreg:$0x3] =	wrdreg s14  }
0xb3: {  	[dreg:$0x4] =	wrdreg $0x81000  }
0xb4: {  	[dreg:$0x5] =	wrdreg $0x90A00  }
0xb5: {  	[dreg:$0x6] =	wrdreg $0x88D00  }
0xb6: {  	[dreg:$0x7] =	wrdreg $0x9  }
0xb7: {  	_ =	task.clear_ibuf [dreg:s5], $0x8FFFF;
	_ =	strace $0x90000046  }
0xb8: {  	s26 =	simm.s32 $0x9;
	_ =	strace $0x80000048  }
0xb9: {  	_ =	swait.ge [sflag:s26], $0x1  }
0xba: {  	[sflag:s26] =	ssyncadd.s32 $0xFFFFFFFF  }
0xbb: {  	_ =	strace $0x90000048  }
0xbc: {  	_ =	sfence  }
0xbd: {  	s28 =	sld [smem:$0x0];
	_ =	sdelay $0x1  }
0xbe: {  	s29 =	srdreg.scid  }
0xbf: {  	s30 =	sshll.u32 s29, $0xD;
	s31 =	sshrl.u32 s29, $0x2  }
0xc0: {  	s2 =	sand.u32 $0x4000, s30;
	s1 =	sand.u32 $0x1, s29;
	s0 =	sadd.s32 s31, s28  }
0xc1: {  	s1 =	sor.u32 s2, s1;
	s0 =	sshll.u32 s0, $0x11  }
0xc2: {  	s0 =	sor.u32 s0, s1  }
0xc3: {  	s0 =	sadd.s32 $0x8F2B, s0  }
0xc4: {  	[sflag:s0] =	ssyncadd.remote.s32 $0x1  }
0xc5: {  	_ =	sfence.sel $0xFFFF  }
0xc6: {  	[dreg:$0x0] =	wrdreg $0xFFFFFFFF;
	(pc) =	sbr.abs _section_cstart, $3  }
0xc7: {  	[dreg:$0x1] =	wrdreg $0xFFFFFFFF  }
0xc8: {  	_ =	task.clear_ibuf [dreg:s5], $0x2FFFF;
	_ =	strace $0x9FFFFFFF  }
0xc9: {  	(tm) =	ssettm $0x7FFFFFFF  }
tec
execute0_lowered:
.L_overlay_start_1:
0x0: {  	(tag) =	ssettag $0x1  }
0x1: {  	s5 =	rddreg [dreg:$0x0]  }
0x2: {  	s4 =	rddreg [dreg:$0x1]  }
0x3: {  	s2 =	rddreg [dreg:$0x2]  }
0x4: {  	s3 =	rddreg [dreg:$0x3];
	s1 =	stileid.u32  }
0x5: {  	s11 =	rddreg [dreg:$0x4];
	s6 =	sshrl.u32 s1, $0x3;
	s7 =	sshll.u32 s1, $0x7  }
0x6: {  	s0 =	rddreg [dreg:$0x5];
	s7 =	sand.u32 $0x380, s7;
	s9 =	sshll.u32 s6, $0xE  }
0x7: {  	s8 =	simm.s32 $0x0;
	s10 =	simm.s32 $0x80;
	s9 =	sor.u32 s7, s9  }
0x8: {  	s12 =	simm.s32 $0x400;
	[smem:$0x7FF] =	sst s8;
	s9 =	sshrl.u32 s9, $0x3  }
0x9: {  	s14 =	simm.s32 $0x1;
	_ =	strace $0x80000047;
	s9 =	sadd.s32 s5, s9  }
0xa: {  	[tilespmem:s8], [sflag:$0x1] =	stream.strided.gather [hbm4b:s9+s10], $0x800, s12, s10, $0x38;
	[tilespmem:$0x9870] =	vst v63  }
0xb: {  	_ =	swait.ge [sflag:s14], $0x800  }
0xc: {  	[sflag:s14] =	ssyncset.done $0x0  }
0xd: {  	s13 =	simm.s32 $0x800;
	s9 =	sadd.s32 $0x1000, s9;
	[sflag:s14] =	ssyncadd.s32 $0xFFFFF800  }
0xe: {  	[tilespmem:s13], [sflag:$0x1] =	stream.strided.gather [hbm4b:s9+s10], $0x800, s12, s10, $0x38;
	[tilespmem:$0x9870] =	vst v63  }
0xf: {  	_ =	swait.ge [sflag:s14], $0x800  }
0x10: {  	[sflag:s14] =	ssyncset.done $0x0  }
0x11: {  	s24 =	simm.s32 $0x1000;
	[sflag:s14] =	ssyncadd.s32 $0xFFFFF800  }
0x12: {  	[tilespmem:s24], [sflag:$0x1] =	stream.linear.gather [hbm4b:s4+s8], $0x800, $0x38;
	[tilespmem:$0x9870] =	vst v63  }
0x13: {  	_ =	swait.ge [sflag:s14], $0x800  }
0x14: {  	[sflag:s14] =	ssyncset.done $0x0  }
0x15: {  	s26 =	simm.s32 $0x1800;
	s25 =	sadd.s32 $0x3000, s5;
	[sflag:s14] =	ssyncadd.s32 $0xFFFFF800  }
0x16: {  	[tilespmem:s26], [sflag:$0x1] =	stream.linear.gather [hbm4b:s25+s8], $0x800, $0x38;
	[tilespmem:$0x9870] =	vst v63  }
0x17: {  	_ =	swait.ge [sflag:s14], $0x800  }
0x18: {  	[sflag:s14] =	ssyncset.done $0x0  }
0x19: {  	s29 =	simm.s32 $0x2000;
	s28 =	sadd.s32 $0x3200, s5;
	[sflag:s14] =	ssyncadd.s32 $0xFFFFF800  }
0x1a: {  	[tilespmem:s29], [sflag:$0x1] =	stream.linear.gather [hbm4b:s28+s8], $0x800, $0x38;
	[tilespmem:$0x9870] =	vst v63  }
0x1b: {  	_ =	swait.ge [sflag:s14], $0x800  }
0x1c: {  	[sflag:s14] =	ssyncset.done $0x0  }
0x1d: {  	s31 =	simm.s32 $0x2800;
	s30 =	sadd.s32 $0x3400, s5;
	[sflag:s14] =	ssyncadd.s32 $0xFFFFF800  }
0x1e: {  	[tilespmem:s31], [sflag:$0x1] =	stream.linear.gather [hbm4b:s30+s8], $0x800, $0x38;
	[tilespmem:$0x9870] =	vst v63  }
0x1f: {  	s13 =	sadd.s32 $0x2000, s5;
	_ =	swait.ge [sflag:s14], $0x800  }
0x20: {  	s9 =	simm.s32 $0x0;
	s4 =	sadd.s32 $0x3600, s5;
	[sflag:s14] =	ssyncset.done $0x0  }
0x21: {  	v0 =	vimm.f32 $1.000000000e+00;
	s8 =	sadd.s32 $0x4600, s5;
	s5 =	simm.s32 $0x40;
	[sflag:s14] =	ssyncadd.s32 $0xFFFFF800  }
.LBB2_1:
0x22: {  	p0 =	sne.s32 s5, $0x1F00;
	[tilespmem:s9+$0x4800] =	vst v0;
	s9 =	smov.u32 s5;
	s5 =	sadd.s32 $0x40, s5  }
.Ltmp0:
0x23: {  	(pc) =	sbr.rel @p0 .LBB2_1-.Ltmp0, $2  }
0x24: {  	_ =	sdelay $0x2  }
0x25: {  	s9 =	sshra.s32 s9, $0x2  }
0x26: {  	s12 =	smul.u32 $0x7D0, s1;
	_ =	sdelay $0x1  }
0x27: {  	[tilespmem:s9+$0x4800] =	vst v0;
	s30 =	simm.s32 $0x4800;
	s31 =	simm.s32 $0x1;
	s5 =	sadd.s32 s12, s2  }
0x28: {  	[spmem:s5] =	stream.linear.scatter [tilespmem:s30], [sflag:$0x1], $0x7D0, $0x38;
	[tilespmem:$0x9870] =	vst v63  }
0x29: {  	_ =	swait.ge [sflag:s31], $0x7D0  }
0x2a: {  	[sflag:s31] =	ssyncset.done $0x0  }
0x2b: {  	v0 =	vimm.f32 $1.000000000e+00;
	s9 =	simm.s32 $0x40;
	s10 =	simm.s32 $0x0;
	[sflag:s31] =	ssyncadd.s32 $0xFFFFF830  }
.LBB2_3:
0x2c: {  	p0 =	sne.s32 s9, $0x1F00;
	[tilespmem:s10+$0x3800] =	vst v0;
	s10 =	smov.u32 s9;
	s9 =	sadd.s32 $0x40, s9  }
.Ltmp1:
0x2d: {  	(pc) =	sbr.rel @p0 .LBB2_3-.Ltmp1, $2  }
0x2e: {  	_ =	sdelay $0x2  }
0x2f: {  	s10 =	sshra.s32 s10, $0x2  }
0x30: {  	[tilespmem:s10+$0x3800] =	vst v0;
	s9 =	simm.s32 $0x7D0;
	s29 =	simm.s32 $0x800  }
0x31: {  	s14 =	simm.s32 $0x3800;
	s30 =	simm.s32 $0x1;
	[bflag:$0x0] =	sbarrier.arrive $0xFFFF  }
0x32: {  	[spmem:s2] =	stream.indirect.scatter.add.f32 [tilespmem:s14], [sflag:$0x1], $0x1, s29, s9, $0xb8;
	[tilespmem:$0x9870] =	vst v63  }
0x33: {  	_ =	swait.ge [sflag:s30], $0x7D0  }
0x34: {  	[sflag:s30] =	ssyncset.done $0x0  }
0x35: {  	[sflag:s30] =	ssyncadd.s32 $0xFFFFF830  }
0x36: {  	s31 =	simm.s32 $0x5800;
	[bflag:$0x0] =	sbarrier.arrive $0xFFFF  }
0x37: {  	[tilespmem:s31], [sflag:$0x1] =	stream.linear.gather [spmem:s5], $0x7D0, $0x38;
	[tilespmem:$0x9870] =	vst v63  }
0x38: {  	_ =	swait.ge [sflag:s30], $0x7D0  }
0x39: {  	[sflag:s30] =	ssyncset.done $0x0  }
0x3a: {  	s9 =	simm.s32 $0x0;
	[sflag:s30] =	ssyncadd.s32 $0xFFFFF830  }
0x3b: {  	v0 =	vld [tilespmem:s9+$0x5800];
	_ =	sdelay $0x4  }
0x3c: {  	v1 =	vimm.f32 $3.906250000e-03;
	vm0 =	vlt.f32 v0, $1.638400000e+04  }
0x3d: {  	vm1 =	vlt.f32 v0, $4.096000000e+03;
	v2 =	vsel vm0, $0x3C000000, v1  }
0x3e: {  	vm5 =	vlt.f32 v0, $1.024000000e+03;
	v2 =	vsel vm1, $0x3C800000, v2  }
0x3f: {  	vm6 =	vlt.f32 v0, $2.560000000e+02;
	v2 =	vsel vm5, $0x3D000000, v2  }
0x40: {  	vm7 =	vlt.f32 v0, $6.400000000e+01;
	v2 =	vsel vm6, $0x3D800000, v2  }
0x41: {  	vm8 =	vlt.f32 v0, $1.600000000e+01;
	v2 =	vsel vm7, $0x3E000000, v2  }
0x42: {  	s10 =	simm.s32 $0x10;
	vm9 =	vlt.f32 v0, $4.000000000e+00;
	v4 =	vmul.f32 $5.000000000e-01, v0;
	v2 =	vsel vm8, $0x3E800000, v2  }
0x43: {  	v3 =	vld [tilespmem:s10+$0x5800];
	v2 =	vsel vm9, $0x3F000000, v2  }
0x44: {  	v5 =	vmul.f32 v2, v4;
	_ =	sdelay $0x1  }
0x45: {  	v5 =	vmul.f32 v5, v2;
	_ =	sdelay $0x1  }
0x46: {  	vm10 =	vlt.f32 v3, $1.638400000e+04;
	v5 =	vsub.f32 $1.500000000e+00, v5  }
0x47: {  	vm11 =	vlt.f32 v3, $4.096000000e+03;
	v6 =	vsel vm10, $0x3C000000, v1  }
0x48: {  	vm12 =	vlt.f32 v3, $1.024000000e+03;
	v6 =	vsel vm11, $0x3C800000, v6;
	v2 =	vmul.f32 v5, v2  }
0x49: {  	(erf) = vrcp.f32 v0;
	vm13 =	vlt.f32 v3, $2.560000000e+02;
	v0 =	vsel vm12, $0x3D000000, v6  }
0x4a: {  	vm14 =	vlt.f32 v3, $6.400000000e+01;
	v0 =	vsel vm13, $0x3D800000, v0;
	v5 =	vmul.f32 v2, v4  }
0x4b: {  	vm15 =	vlt.f32 v3, $4.000000000e+00;
	vm2 =	vlt.f32 v3, $1.600000000e+01;
	v0 =	vsel vm14, $0x3E000000, v0  }
0x4c: {  	v7 =	vsel vm2, $0x3E800000, v0;
	v0 =	vmul.f32 $5.000000000e-01, v3;
	v5 =	vmul.f32 v5, v2  }
0x4d: {  	s14 =	simm.s32 $0x20;
	v7 =	vsel vm15, $0x3F000000, v7  }
0x4e: {  	v6 =	vld [tilespmem:s14+$0x5800];
	v8 =	vmul.f32 v7, v0;
	v5 =	vsub.f32 $1.500000000e+00, v5;
	_ =	sdelay $0x1  }
0x4f: {  	v8 =	vmul.f32 v8, v7;
	v5 =	vmul.f32 v5, v2;
	_ =	sdelay $0x1  }
0x50: {  	(erf) = vrcp.f32 v3;
	v2 =	vsub.f32 $1.500000000e+00, v8;
	v8 =	vmul.f32 v5, v4  }
0x51: {  	vm4 =	vlt.f32 v6, $1.638400000e+04;
	vm5 =	vlt.f32 v6, $4.096000000e+03;
	vm6 =	vlt.f32 v6, $2.560000000e+02  }
0x52: {  	v3 =	vsel vm4, $0x3C000000, v1;
	v7 =	vmul.f32 v2, v7;
	v8 =	vmul.f32 v8, v5  }
0x53: {  	vm7 =	vlt.f32 v6, $1.024000000e+03;
	vm8 =	vlt.f32 v6, $1.600000000e+01;
	v9 =	vpop (erf);
	v3 =	vsel vm5, $0x3C800000, v3  }
0x54: {  	[tilespmem:s9+$0x5000] =	vst v9;
	v2 =	vsel vm7, $0x3D000000, v3;
	v9 =	vmul.f32 v7, v0;
	v8 =	vsub.f32 $1.500000000e+00, v8  }
0x55: {  	vm9 =	vlt.f32 v6, $6.400000000e+01;
	vm10 =	vlt.f32 v6, $4.000000000e+00;
	v2 =	vsel vm6, $0x3D800000, v2  }
0x56: {  	v2 =	vsel vm9, $0x3E000000, v2;
	v9 =	vmul.f32 v9, v7;
	v5 =	vmul.f32 v8, v5  }
0x57: {  	s15 =	simm.s32 $0x30;
	(erf) = vrcp.f32 v6;
	v10 =	vsel vm8, $0x3E800000, v2;
	v2 =	vmul.f32 $5.000000000e-01, v6  }
0x58: {  	v3 =	vld [tilespmem:s15+$0x5800];
	v10 =	vsel vm10, $0x3F000000, v10;
	v6 =	vsub.f32 $1.500000000e+00, v9;
	v9 =	vmul.f32 v5, v4  }
0x59: {  	v8 =	vmul.f32 v10, v2  }
0x5a: {  	v7 =	vmul.f32 v6, v7;
	v6 =	vmul.f32 v9, v5  }
0x5b: {  	v8 =	vmul.f32 v8, v10  }
0x5c: {  	v6 =	vsub.f32 $1.500000000e+00, v6  }
0x5d: {  	vm11 =	vlt.f32 v3, $4.000000000e+00;
	v8 =	vsub.f32 $1.500000000e+00, v8  }
0x5e: {  	vm3 =	vlt.f32 v3, $1.638400000e+04;
	vm4 =	vlt.f32 v3, $4.096000000e+03;
	v11 =	vmul.f32 v7, v0  }
0x5f: {  	vm14 =	vlt.f32 v3, $1.024000000e+03;
	v9 =	vsel vm3, $0x3C000000, v1;
	v8 =	vmul.f32 v8, v10  }
0x60: {  	v9 =	vsel vm4, $0x3C800000, v9;
	v10 =	vmul.f32 v11, v7;
	v5 =	vmul.f32 v6, v5;
	v6 =	vpop (erf)  }
0x61: {  	s16 =	simm.s32 $0x40;
	vm12 =	vlt.f32 v3, $1.600000000e+01;
	vm13 =	vlt.f32 v3, $2.560000000e+02;
	v9 =	vsel vm14, $0x3D000000, v9;
	[tilespmem:s10+$0x5000] =	vst v6  }
0x62: {  	vm15 =	vlt.f32 v3, $6.400000000e+01;
	v9 =	vsel vm13, $0x3D800000, v9;
	v11 =	vmul.f32 v8, v2;
	v6 =	vld [tilespmem:s16+$0x5800]  }
0x63: {  	v9 =	vsel vm15, $0x3E000000, v9;
	v12 =	vsub.f32 $1.500000000e+00, v10;
	v13 =	vmul.f32 v5, v4  }
0x64: {  	v9 =	vsel vm12, $0x3E800000, v9;
	v4 =	vmul.f32 $5.000000000e-01, v3;
	v11 =	vmul.f32 v11, v8;
	v10 =	vpop (erf)  }
0x65: {  	s17 =	simm.s32 $0x140;
	v7 =	vmul.f32 v12, v7;
	[tilespmem:s14+$0x5000] =	vst v10;
	v10 =	vsel vm11, $0x3F000000, v9;
	v9 =	vmul.f32 v13, v5  }
.LBB2_5:
0x66: {  	p0 =	sne.s32 s17, $0x1F00;
	v12 =	vmul.f32 v10, v4;
	(erf) = vrcp.f32 v3;
	v11 =	vsub.f32 $1.500000000e+00, v11  }
0x67: {  	vm0 =	vlt.f32 v6, $4.000000000e+00;
	v13 =	vmul.f32 v7, v0;
	v9 =	vsub.f32 $1.500000000e+00, v9;
	v3 =	vmovc v6  }
0x68: {  	vm1 =	vlt.f32 v3, $1.600000000e+01;
	v6 =	vmul.f32 v12, v10;
	v12 =	vmul.f32 v11, v8  }
0x69: {  	vm2 =	vlt.f32 v3, $2.560000000e+02;
	v8 =	vmul.f32 v13, v7;
	v5 =	vmul.f32 v9, v5  }
0x6a: {  	vm3 =	vlt.f32 v3, $1.638400000e+04;
	vm4 =	vlt.f32 v3, $4.096000000e+03;
	v6 =	vsub.f32 $1.500000000e+00, v6  }
0x6b: {  	v9 =	vsel vm3, $0x3C000000, v1;
	v11 =	vmul.f32 v12, v2;
	v13 =	vsub.f32 $1.500000000e+00, v8;
	[tilespmem:s9+$0x7000] =	vst v5;
	s9 =	smov.u32 s10;
	s10 =	smov.u32 s14;
	s14 =	smov.u32 s15  }
0x6c: {  	vm3 =	vlt.f32 v3, $1.024000000e+03;
	v5 =	vsel vm4, $0x3C800000, v9;
	s15 =	smov.u32 s16;
	v8 =	vmul.f32 v6, v10  }
.Ltmp2:
0x6d: {  	s16 =	sshra.s32 s17, $0x2;
	v9 =	vsel vm3, $0x3D000000, v5;
	v10 =	vmul.f32 v11, v12;
	v5 =	vmul.f32 v13, v7;
	(pc) =	sbr.rel @p0 .LBB2_5-.Ltmp2, $4  }
0x6e: {  	v7 =	vsel vm2, $0x3D800000, v9;
	vm2 =	vlt.f32 v3, $6.400000000e+01;
	v6 =	vld [tilespmem:s16+$0x5800];
	v9 =	vmul.f32 v8, v4  }
0x6f: {  	v7 =	vsel vm2, $0x3E000000, v7;
	v14 =	vsub.f32 $1.500000000e+00, v10;
	v13 =	vpop (erf);
	v15 =	vmul.f32 v5, v0  }
0x70: {  	v7 =	vsel vm1, $0x3E800000, v7;
	v0 =	vmovc v2;
	v2 =	vmovc v4;
	v4 =	vmul.f32 $5.000000000e-01, v3;
	v11 =	vmul.f32 v9, v8;
	[tilespmem:s14+$0x5000] =	vst v13  }
0x71: {  	s17 =	sadd.s32 $0x40, s17;
	v10 =	vsel vm0, $0x3F000000, v7;
	v7 =	vmul.f32 v14, v12;
	v9 =	vmul.f32 v15, v5  }
0x72: {  	_ = 	snop  }
0x73: {  	vm0 =	vlt.f32 v6, $1.638400000e+04  }
0x74: {  	vm1 =	vlt.f32 v6, $4.096000000e+03;
	v1 =	vsel vm0, $0x3C000000, v1  }
0x75: {  	vm11 =	vlt.f32 v6, $1.024000000e+03;
	v1 =	vsel vm1, $0x3C800000, v1  }
0x76: {  	vm12 =	vlt.f32 v6, $2.560000000e+02;
	v1 =	vsel vm11, $0x3D000000, v1  }
0x77: {  	vm13 =	vlt.f32 v6, $6.400000000e+01;
	v1 =	vsel vm12, $0x3D800000, v1  }
0x78: {  	vm14 =	vlt.f32 v6, $1.600000000e+01;
	v1 =	vsel vm13, $0x3E000000, v1  }
0x79: {  	vm15 =	vlt.f32 v6, $4.000000000e+00;
	v12 =	vmul.f32 $5.000000000e-01, v6;
	v1 =	vsel vm14, $0x3E800000, v1  }
0x7a: {  	v13 =	vmul.f32 v10, v4;
	v1 =	vsel vm15, $0x3F000000, v1  }
0x7b: {  	v14 =	vmul.f32 v1, v12  }
0x7c: {  	v13 =	vmul.f32 v13, v10  }
0x7d: {  	v14 =	vmul.f32 v14, v1  }
0x7e: {  	v13 =	vsub.f32 $1.500000000e+00, v13  }
0x7f: {  	v14 =	vsub.f32 $1.500000000e+00, v14  }
0x80: {  	v47 =	vmul.f32 v13, v10  }
0x81: {  	v1 =	vmul.f32 v14, v1  }
0x82: {  	v13 =	vmul.f32 v47, v4  }
0x83: {  	v14 =	vmul.f32 v1, v12  }
0x84: {  	v13 =	vmul.f32 v13, v47  }
0x85: {  	v11 =	vsub.f32 $1.500000000e+00, v11;
	v14 =	vmul.f32 v14, v1  }
0x86: {  	v13 =	vsub.f32 $1.500000000e+00, v13  }
0x87: {  	v8 =	vmul.f32 v11, v8;
	v48 =	vsub.f32 $1.500000000e+00, v14  }
0x88: {  	v10 =	vmul.f32 v13, v47  }
0x89: {  	v49 =	vmul.f32 v8, v2;
	v1 =	vmul.f32 v48, v1  }
0x8a: {  	v50 =	vmul.f32 v10, v4  }
0x8b: {  	v13 =	vmul.f32 v49, v8;
	v51 =	vmul.f32 v1, v12  }
0x8c: {  	v15 =	vmul.f32 v7, v0;
	v11 =	vmul.f32 v50, v10  }
0x8d: {  	v13 =	vsub.f32 $1.500000000e+00, v13;
	v14 =	vmul.f32 v51, v1  }
0x8e: {  	v53 =	vmul.f32 v15, v7;
	v11 =	vsub.f32 $1.500000000e+00, v11  }
0x8f: {  	v8 =	vmul.f32 v13, v8;
	v52 =	vsub.f32 $1.500000000e+00, v14  }
0x90: {  	(erf) = vrcp.f32 v3;
	v3 =	vsub.f32 $1.500000000e+00, v53;
	v10 =	vmul.f32 v11, v10  }
0x91: {  	v54 =	vmul.f32 v8, v2;
	v1 =	vmul.f32 v52, v1  }
0x92: {  	v3 =	vmul.f32 v3, v7;
	v55 =	vmul.f32 v10, v4  }
0x93: {  	v11 =	vmul.f32 v54, v8;
	v56 =	vmul.f32 v1, v12  }
0x94: {  	v0 =	vmul.f32 v3, v0;
	v57 =	vmul.f32 v55, v10  }
0x95: {  	(erf) = vrcp.f32 v6;
	v11 =	vsub.f32 $1.500000000e+00, v11;
	v58 =	vmul.f32 v56, v1  }
0x96: {  	v9 =	vsub.f32 $1.500000000e+00, v9;
	v0 =	vmul.f32 v0, v3;
	v59 =	vsub.f32 $1.500000000e+00, v57  }
0x97: {  	v60 =	vmul.f32 v11, v8;
	v61 =	vsub.f32 $1.500000000e+00, v58  }
0x98: {  	v5 =	vmul.f32 v9, v5;
	v0 =	vsub.f32 $1.500000000e+00, v0;
	v6 =	vmul.f32 v59, v10  }
0x99: {  	v2 =	vmul.f32 v60, v2;
	v1 =	vmul.f32 v61, v1  }
0x9a: {  	v0 =	vmul.f32 v0, v3;
	v62 =	vmul.f32 v6, v4  }
0x9b: {  	v2 =	vmul.f32 v2, v60;
	v8 =	vmul.f32 v1, v12  }
0x9c: {  	v4 =	vmul.f32 v62, v6  }
0x9d: {  	[tilespmem:s9+$0x7000] =	vst v5;
	v63 =	vpop (erf);
	v2 =	vsub.f32 $1.500000000e+00, v2;
	v3 =	vmul.f32 v8, v1  }
0x9e: {  	[tilespmem:s15+$0x5000] =	vst v63;
	v4 =	vsub.f32 $1.500000000e+00, v4  }
0x9f: {  	[tilespmem:s10+$0x7000] =	vst v0;
	v0 =	vpop (erf);
	v2 =	vmul.f32 v2, v60;
	v3 =	vsub.f32 $1.500000000e+00, v3  }
0xa0: {  	[tilespmem:s16+$0x5000] =	vst v0;
	v0 =	vmul.f32 v4, v6  }
0xa1: {  	[tilespmem:s14+$0x7000] =	vst v2;
	v1 =	vmul.f32 v3, v1  }
0xa2: {  	[tilespmem:s15+$0x7000] =	vst v0  }
0xa3: {  	s24 =	simm.s32 $0x7000;
	s25 =	simm.s32 $0x1;
	s10 =	sadd.s32 s12, s3;
	[tilespmem:s16+$0x7000] =	vst v1  }
0xa4: {  	[spmem:s10] =	stream.linear.scatter [tilespmem:s24], [sflag:$0x1], $0x7D0, $0x38;
	[tilespmem:$0x9870] =	vst v63  }
0xa5: {  	_ =	swait.ge [sflag:s25], $0x7D0  }
0xa6: {  	[sflag:s25] =	ssyncset.done $0x0  }
0xa7: {  	s26 =	simm.s32 $0x7D0;
	[sflag:s25] =	ssyncadd.s32 $0xFFFFF830  }
0xa8: {  	s28 =	simm.s32 $0x0;
	s29 =	simm.s32 $0x3000;
	[bflag:$0x0] =	sbarrier.arrive $0xFFFF  }
0xa9: {  	[tilespmem:s29], [sflag:$0x1] =	stream.indirect.gather [spmem:s3], $0x1, s28, s26, $0xb8;
	[tilespmem:$0x9870] =	vst v63  }
0xaa: {  	_ =	swait.ge [sflag:s25], $0x7D0  }
0xab: {  	[sflag:s25] =	ssyncset.done $0x0  }
0xac: {  	s30 =	simm.s32 $0x800;
	s31 =	simm.s32 $0x3800;
	[sflag:s25] =	ssyncadd.s32 $0xFFFFF830  }
0xad: {  	[tilespmem:s31], [sflag:$0x1] =	stream.indirect.gather [spmem:s3], $0x1, s30, s26, $0xb8;
	[tilespmem:$0x9870] =	vst v63  }
0xae: {  	_ =	swait.ge [sflag:s25], $0x7D0  }
0xaf: {  	[sflag:s25] =	ssyncset.done $0x0  }
0xb0: {  	s14 =	simm.s32 $0x0;
	[sflag:s25] =	ssyncadd.s32 $0xFFFFF830  }
0xb1: {  	v0 =	vld [tilespmem:s14+$0x3000]  }
0xb2: {  	s9 =	simm.s32 $0x40;
	v1 =	vld [tilespmem:s14+$0x3800]  }
.LBB2_7:
0xb3: {  	_ = 	snop  }
0xb4: {  	p0 =	sne.s32 s9, $0x1F00  }
.Ltmp3:
0xb5: {  	_ = 	snop;
	(pc) =	sbr.rel @p0 .LBB2_7-.Ltmp3, $4  }
0xb6: {  	_ = 	snop  }
0xb7: {  	s15 =	sshra.s32 s9, $0x2;
	v2 =	vmul.f32 v1, v0  }
0xb8: {  	v0 =	vld [tilespmem:s15+$0x3000]  }
0xb9: {  	s9 =	sadd.s32 $0x40, s9;
	v1 =	vld [tilespmem:s15+$0x3800];
	[tilespmem:s14+$0x4000] =	vst v2;
	s14 =	smov.u32 s15  }
0xba: {  	_ =	sdelay $0x3  }
0xbb: {  	v0 =	vmul.f32 v1, v0  }
0xbc: {  	s9 =	sshrl.u32 s12, $0x3;
	s30 =	simm.s32 $0x0  }
0xbd: {  	s15 =	simm.s32 $0x7000;
	s31 =	simm.s32 $0x1;
	s13 =	sadd.s32 s13, s9;
	[tilespmem:s14+$0x4000] =	vst v0  }
0xbe: {  	[tilespmem:s15], [sflag:$0x1] =	stream.linear.gather [hbm4b:s13+s30], $0x7D0, $0x38;
	[tilespmem:$0x9870] =	vst v63  }
0xbf: {  	_ =	swait.ge [sflag:s31], $0x7D0  }
0xc0: {  	[sflag:s31] =	ssyncset.done $0x0  }
0xc1: {  	[sflag:s31] =	ssyncadd.s32 $0xFFFFF830  }
0xc2: {  	[bflag:$0x0] =	sbarrier.arrive $0xFFFF  }
0xc3: {  	[spmem:s10] =	stream.linear.scatter [tilespmem:s15], [sflag:$0x1], $0x7D0, $0x38;
	[tilespmem:$0x9870] =	vst v63  }
0xc4: {  	_ =	swait.ge [sflag:s31], $0x7D0  }
0xc5: {  	[sflag:s31] =	ssyncset.done $0x0  }
0xc6: {  	s13 =	simm.s32 $0x0;
	[sflag:s31] =	ssyncadd.s32 $0xFFFFF830  }
0xc7: {  	v0 =	vld [tilespmem:s13+$0x5000]  }
0xc8: {  	s14 =	simm.s32 $0x40;
	v1 =	vld [tilespmem:s13+$0x7000]  }
.LBB2_9:
0xc9: {  	_ = 	snop  }
0xca: {  	p0 =	sne.s32 s14, $0x1F00  }
.Ltmp4:
0xcb: {  	_ = 	snop;
	(pc) =	sbr.rel @p0 .LBB2_9-.Ltmp4, $4  }
0xcc: {  	_ = 	snop  }
0xcd: {  	s15 =	sshra.s32 s14, $0x2;
	v2 =	vmul.f32 v1, v0  }
0xce: {  	v0 =	vld [tilespmem:s15+$0x5000]  }
0xcf: {  	s14 =	sadd.s32 $0x40, s14;
	v1 =	vld [tilespmem:s15+$0x7000];
	[tilespmem:s13+$0x4800] =	vst v2;
	s13 =	smov.u32 s15  }
0xd0: {  	_ =	sdelay $0x3  }
0xd1: {  	v0 =	vmul.f32 v1, v0;
	_ =	sdelay $0x1  }
0xd2: {  	s30 =	simm.s32 $0x4800;
	s31 =	simm.s32 $0x1;
	[tilespmem:s13+$0x4800] =	vst v0  }
0xd3: {  	[spmem:s5] =	stream.linear.scatter [tilespmem:s30], [sflag:$0x1], $0x7D0, $0x38;
	[tilespmem:$0x9870] =	vst v63  }
0xd4: {  	_ =	swait.ge [sflag:s31], $0x7D0  }
0xd5: {  	[sflag:s31] =	ssyncset.done $0x0  }
0xd6: {  	s14 =	simm.s32 $0x7D0;
	[sflag:s31] =	ssyncadd.s32 $0xFFFFF830  }
0xd7: {  	s15 =	simm.s32 $0x0;
	s16 =	simm.s32 $0x3000;
	[bflag:$0x0] =	sbarrier.arrive $0xFFFF  }
0xd8: {  	[tilespmem:s16], [sflag:$0x1] =	stream.indirect.gather [spmem:s3], $0x1, s15, s14, $0xb8;
	[tilespmem:$0x9870] =	vst v63  }
0xd9: {  	_ =	swait.ge [sflag:s31], $0x7D0  }
0xda: {  	[sflag:s31] =	ssyncset.done $0x0  }
0xdb: {  	s13 =	simm.s32 $0x0;
	[sflag:s31] =	ssyncadd.s32 $0xFFFFF830  }
0xdc: {  	v0 =	vld [tilespmem:s13+$0x3000]  }
0xdd: {  	s14 =	simm.s32 $0x40;
	v1 =	vld [tilespmem:s13+$0x4000]  }
.LBB2_11:
0xde: {  	_ = 	snop  }
0xdf: {  	p0 =	sne.s32 s14, $0x1F00  }
.Ltmp5:
0xe0: {  	_ = 	snop;
	(pc) =	sbr.rel @p0 .LBB2_11-.Ltmp5, $4  }
0xe1: {  	_ = 	snop  }
0xe2: {  	s15 =	sshra.s32 s14, $0x2;
	v2 =	vmul.f32 v1, v0  }
0xe3: {  	v0 =	vld [tilespmem:s15+$0x3000]  }
0xe4: {  	s14 =	sadd.s32 $0x40, s14;
	v1 =	vld [tilespmem:s15+$0x4000];
	[tilespmem:s13+$0x3800] =	vst v2;
	s13 =	smov.u32 s15  }
0xe5: {  	_ =	sdelay $0x3  }
0xe6: {  	v0 =	vmul.f32 v1, v0  }
0xe7: {  	s29 =	simm.s32 $0x7D0  }
0xe8: {  	s14 =	simm.s32 $0x800;
	s15 =	simm.s32 $0x3800;
	s30 =	simm.s32 $0x1;
	[tilespmem:s13+$0x3800] =	vst v0  }
0xe9: {  	[spmem:s2] =	stream.indirect.scatter.add.f32 [tilespmem:s15], [sflag:$0x1], $0x1, s14, s29, $0xb8;
	[tilespmem:$0x9870] =	vst v63  }
0xea: {  	_ =	swait.ge [sflag:s30], $0x7D0  }
0xeb: {  	[sflag:s30] =	ssyncset.done $0x0  }
0xec: {  	[sflag:s30] =	ssyncadd.s32 $0xFFFFF830  }
0xed: {  	s31 =	simm.s32 $0x5800;
	[bflag:$0x0] =	sbarrier.arrive $0xFFFF  }
0xee: {  	[tilespmem:s31], [sflag:$0x1] =	stream.linear.gather [spmem:s5], $0x7D0, $0x38;
	[tilespmem:$0x9870] =	vst v63  }
0xef: {  	_ =	swait.ge [sflag:s30], $0x7D0  }
0xf0: {  	[sflag:s30] =	ssyncset.done $0x0  }
0xf1: {  	[sflag:s30] =	ssyncadd.s32 $0xFFFFF830  }
0xf2: {  	[bflag:$0x0] =	sbarrier.arrive $0xFFFF  }
0xf3: {  	[spmem:s10] =	stream.linear.scatter [tilespmem:s31], [sflag:$0x1], $0x7D0, $0x38;
	[tilespmem:$0x9870] =	vst v63  }
0xf4: {  	_ =	swait.ge [sflag:s30], $0x7D0  }
0xf5: {  	[sflag:s30] =	ssyncset.done $0x0  }
0xf6: {  	s13 =	simm.s32 $0x0;
	[sflag:s30] =	ssyncadd.s32 $0xFFFFF830  }
0xf7: {  	v0 =	vld [tilespmem:s13+$0x5800]  }
0xf8: {  	v1 =	vld [tilespmem:s13+$0x5000];
	_ =	sdelay $0x1  }
0xf9: {  	s14 =	simm.s32 $0x40  }
.LBB2_13:
0xfa: {  	p0 =	sne.s32 s14, $0x1F00  }
.Ltmp6:
0xfb: {  	s15 =	sshra.s32 s14, $0x2;
	s14 =	sadd.s32 $0x40, s14;
	v2 =	vmax.f32 v0, $0.0e+00;
	v3 =	vmin.f32 v0, $0.0e+00;
	(pc) =	sbr.rel @p0 .LBB2_13-.Ltmp6, $4  }
0xfc: {  	v0 =	vld [tilespmem:s15+$0x5800];
	v2 =	vmul.f32 v2, v1;
	v3 =	vmul.f32 v3, v1  }
0xfd: {  	v1 =	vld [tilespmem:s15+$0x5000]  }
0xfe: {  	[tilespmem:s13+$0x7000] =	vst v3  }
0xff: {  	[tilespmem:s13+$0x4800] =	vst v2;
	s13 =	smov.u32 s15  }
0x100: {  	_ = 	snop  }
0x101: {  	v2 =	vmin.f32 v0, $0.0e+00  }
0x102: {  	v0 =	vmax.f32 v0, $0.0e+00;
	v2 =	vmul.f32 v2, v1  }
0x103: {  	v0 =	vmul.f32 v0, v1  }
0x104: {  	[tilespmem:s13+$0x7000] =	vst v2  }
0x105: {  	s29 =	simm.s32 $0x4800;
	s30 =	simm.s32 $0x1;
	[tilespmem:s13+$0x4800] =	vst v0  }
0x106: {  	[spmem:s5] =	stream.linear.scatter [tilespmem:s29], [sflag:$0x1], $0x7D0, $0x38;
	[tilespmem:$0x9870] =	vst v63  }
0x107: {  	_ =	swait.ge [sflag:s30], $0x7D0  }
0x108: {  	[sflag:s30] =	ssyncset.done $0x0  }
0x109: {  	s12 =	sadd.s32 s12, s11;
	s14 =	simm.s32 $0x7000;
	[sflag:s30] =	ssyncadd.s32 $0xFFFFF830  }
0x10a: {  	[spmem:s12] =	stream.linear.scatter [tilespmem:s14], [sflag:$0x1], $0x7D0, $0x38;
	[tilespmem:$0x9870] =	vst v63  }
0x10b: {  	_ =	swait.ge [sflag:s30], $0x7D0  }
0x10c: {  	[sflag:s30] =	ssyncset.done $0x0  }
0x10d: {  	s31 =	simm.s32 $0x7D0;
	[sflag:s30] =	ssyncadd.s32 $0xFFFFF830  }
0x10e: {  	s15 =	simm.s32 $0x0;
	s16 =	simm.s32 $0x3000;
	[bflag:$0x0] =	sbarrier.arrive $0xFFFF  }
0x10f: {  	[tilespmem:s16], [sflag:$0x1] =	stream.indirect.gather [spmem:s3], $0x1, s15, s31, $0xb8;
	[tilespmem:$0x9870] =	vst v63  }
0x110: {  	_ =	swait.ge [sflag:s30], $0x7D0  }
0x111: {  	[sflag:s30] =	ssyncset.done $0x0  }
0x112: {  	s13 =	simm.s32 $0x0;
	[sflag:s30] =	ssyncadd.s32 $0xFFFFF830  }
0x113: {  	v0 =	vld [tilespmem:s13+$0x3000]  }
0x114: {  	v1 =	vld [tilespmem:s13+$0x4000];
	_ =	sdelay $0x1  }
0x115: {  	s14 =	simm.s32 $0x40  }
.LBB2_15:
0x116: {  	p0 =	sne.s32 s14, $0x1F00  }
.Ltmp7:
0x117: {  	s15 =	sshra.s32 s14, $0x2;
	s14 =	sadd.s32 $0x40, s14;
	v2 =	vmax.f32 v0, $0.0e+00;
	v3 =	vmin.f32 v0, $0.0e+00;
	(pc) =	sbr.rel @p0 .LBB2_15-.Ltmp7, $4  }
0x118: {  	v0 =	vld [tilespmem:s15+$0x3000];
	v2 =	vmul.f32 v2, v1;
	v3 =	vmul.f32 v3, v1  }
0x119: {  	v1 =	vld [tilespmem:s15+$0x4000]  }
0x11a: {  	[tilespmem:s13+$0x4800] =	vst v3  }
0x11b: {  	[tilespmem:s13+$0x3800] =	vst v2;
	s13 =	smov.u32 s15  }
0x11c: {  	_ = 	snop  }
0x11d: {  	v2 =	vmin.f32 v0, $0.0e+00  }
0x11e: {  	v0 =	vmax.f32 v0, $0.0e+00;
	v2 =	vmul.f32 v2, v1  }
0x11f: {  	v0 =	vmul.f32 v0, v1  }
0x120: {  	s28 =	simm.s32 $0x7D0;
	[tilespmem:s13+$0x4800] =	vst v2  }
0x121: {  	s14 =	simm.s32 $0x800;
	s15 =	simm.s32 $0x3800;
	s29 =	simm.s32 $0x1;
	[tilespmem:s13+$0x3800] =	vst v0  }
0x122: {  	[spmem:s2] =	stream.indirect.scatter.add.f32 [tilespmem:s15], [sflag:$0x1], $0x1, s14, s28, $0xb8;
	[tilespmem:$0x9870] =	vst v63  }
0x123: {  	_ =	swait.ge [sflag:s29], $0x7D0  }
0x124: {  	[sflag:s29] =	ssyncset.done $0x0  }
0x125: {  	s16 =	simm.s32 $0x4800;
	[sflag:s29] =	ssyncadd.s32 $0xFFFFF830  }
0x126: {  	[spmem:s11] =	stream.indirect.scatter.add.f32 [tilespmem:s16], [sflag:$0x1], $0x1, s14, s28, $0xb8;
	[tilespmem:$0x9870] =	vst v63  }
0x127: {  	_ =	swait.ge [sflag:s29], $0x7D0  }
0x128: {  	[sflag:s29] =	ssyncset.done $0x0  }
0x129: {  	[sflag:s29] =	ssyncadd.s32 $0xFFFFF830  }
0x12a: {  	s30 =	simm.s32 $0x6000;
	[bflag:$0x0] =	sbarrier.arrive $0xFFFF  }
0x12b: {  	[tilespmem:s30], [sflag:$0x1] =	stream.linear.gather [spmem:s5], $0x7D0, $0x38;
	[tilespmem:$0x9870] =	vst v63  }
0x12c: {  	_ =	swait.ge [sflag:s29], $0x7D0  }
0x12d: {  	[sflag:s29] =	ssyncset.done $0x0  }
0x12e: {  	s31 =	simm.s32 $0x6800;
	[sflag:s29] =	ssyncadd.s32 $0xFFFFF830  }
0x12f: {  	[tilespmem:s31], [sflag:$0x1] =	stream.linear.gather [spmem:s12], $0x7D0, $0x38;
	[tilespmem:$0x9870] =	vst v63  }
0x130: {  	_ =	swait.ge [sflag:s29], $0x7D0  }
0x131: {  	[sflag:s29] =	ssyncset.done $0x0  }
0x132: {  	[sflag:s29] =	ssyncadd.s32 $0xFFFFF830  }
0x133: {  	v4 =	vld [tilespmem:$0x2880]  }
0x134: {  	v2 =	vld [tilespmem:$0x1A00]  }
0x135: {  	v3 =	vld [tilespmem:$0x1200]  }
0x136: {  	v5 =	vld [tilespmem:$0x2100]  }
0x137: {  	v6 =	vld [tilespmem:$0x2800]  }
0x138: {  	v7 =	vld [tilespmem:$0x1980]  }
0x139: {  	v8 =	vld [tilespmem:$0x1180]  }
0x13a: {  	v9 =	vld [tilespmem:$0x1900]  }
0x13b: {  	v10 =	vld [tilespmem:$0x1100]  }
0x13c: {  	v11 =	vld [tilespmem:$0x2000]  }
0x13d: {  	v12 =	vld [tilespmem:$0x1880]  }
0x13e: {  	v13 =	vld [tilespmem:$0x1080]  }
0x13f: {  	v14 =	vld [tilespmem:$0x1800]  }
0x140: {  	v15 =	vld [tilespmem:$0x2580]  }
0x141: {  	v16 =	vld [tilespmem:$0x2180]  }
0x142: {  	v17 =	vld [tilespmem:$0x1280]  }
0x143: {  	v18 =	vld [tilespmem:$0x1A80]  }
0x144: {  	v19 =	vld [tilespmem:$0x2900]  }
0x145: {  	v0 =	vimm.f32 $0.0e+00;
	v20 =	vld [tilespmem:$0x2200]  }
0x146: {  	[tilespmem:$0x8000] =	vst v0;
	v21 =	vld [tilespmem:$0x1300]  }
0x147: {  	[tilespmem:$0x8010] =	vst v0;
	v22 =	vld [tilespmem:$0x1B00]  }
0x148: {  	[tilespmem:$0x8020] =	vst v0;
	v23 =	vld [tilespmem:$0x2980]  }
0x149: {  	[tilespmem:$0x8030] =	vst v0;
	v24 =	vld [tilespmem:$0x2280]  }
0x14a: {  	[tilespmem:$0x8040] =	vst v0;
	v25 =	vld [tilespmem:$0x1380]  }
0x14b: {  	[tilespmem:$0x8050] =	vst v0;
	v26 =	vld [tilespmem:$0x1B80]  }
0x14c: {  	[tilespmem:$0x8060] =	vst v0;
	v27 =	vld [tilespmem:$0x2A00]  }
0x14d: {  	[tilespmem:$0x8070] =	vst v0;
	v28 =	vld [tilespmem:$0x2300]  }
0x14e: {  	[tilespmem:$0x8080] =	vst v0;
	v29 =	vld [tilespmem:$0x1400]  }
0x14f: {  	[tilespmem:$0x8090] =	vst v0;
	v30 =	vld [tilespmem:$0x1C00]  }
0x150: {  	[tilespmem:$0x80A0] =	vst v0;
	v31 =	vld [tilespmem:$0x2A80]  }
0x151: {  	[tilespmem:$0x80B0] =	vst v0;
	v32 =	vld [tilespmem:$0x2380]  }
0x152: {  	[tilespmem:$0x80C0] =	vst v0;
	v33 =	vld [tilespmem:$0x1480]  }
0x153: {  	[tilespmem:$0x80D0] =	vst v0;
	v34 =	vld [tilespmem:$0x1C80]  }
0x154: {  	[tilespmem:$0x80E0] =	vst v0;
	v35 =	vld [tilespmem:$0x2B00]  }
0x155: {  	s11 =	simm.s32 $0x0;
	[tilespmem:$0x80F0] =	vst v0;
	v36 =	vld [tilespmem:$0x2400]  }
0x156: {  	v0 =	vld [tilespmem:s11+$0x6800]  }
0x157: {  	v1 =	vld [tilespmem:s11+$0x6000]  }
0x158: {  	v37 =	vld [tilespmem:$0x1500]  }
0x159: {  	v38 =	vld [tilespmem:$0x1D00]  }
0x15a: {  	v39 =	vld [tilespmem:$0x2B80]  }
0x15b: {  	v40 =	vld [tilespmem:$0x2480]  }
0x15c: {  	v41 =	vld [tilespmem:$0x1580];
	v9 =	vmul.f32 v9, v0;
	v10 =	vmul.f32 v10, v1  }
0x15d: {  	v42 =	vld [tilespmem:$0x1D80];
	v7 =	vmul.f32 v7, v0;
	v8 =	vmul.f32 v8, v1  }
0x15e: {  	v43 =	vld [tilespmem:$0x1000];
	v2 =	vmul.f32 v2, v0;
	v3 =	vmul.f32 v3, v1  }
0x15f: {  	v54 =	vld [tilespmem:$0x2080];
	v50 =	vmul.f32 v17, v1;
	v51 =	vmul.f32 v18, v0  }
0x160: {  	v46 =	vld [tilespmem:$0x1F80];
	v14 =	vmul.f32 v14, v0;
	v52 =	vmul.f32 v21, v1  }
0x161: {  	v47 =	vld [tilespmem:$0x1780];
	v53 =	vmul.f32 v22, v0;
	v12 =	vmul.f32 v12, v0;
	v2 =	vadd.f32 v2, v3  }
0x162: {  	v62 =	vld [tilespmem:$0x8030];
	v13 =	vmul.f32 v13, v1;
	v55 =	vmul.f32 v25, v1  }
0x163: {  	v63 =	vld [tilespmem:$0x8040];
	v56 =	vmul.f32 v26, v0;
	v17 =	vadd.f32 v2, v20;
	v2 =	vmul.f32 v43, v1  }
0x164: {  	v45 =	vld [tilespmem:$0x8050];
	v58 =	vmul.f32 v29, v1;
	v59 =	vmul.f32 v30, v0  }
0x165: {  	v18 =	vld [tilespmem:$0x2500];
	v60 =	vmul.f32 v33, v1;
	v9 =	vadd.f32 v9, v10;
	v2 =	vadd.f32 v14, v2  }
0x166: {  	v25 =	vld [tilespmem:$0x2600];
	v61 =	vmul.f32 v34, v0;
	v7 =	vadd.f32 v7, v8;
	v8 =	vadd.f32 v51, v50  }
0x167: {  	v21 =	vld [tilespmem:$0x80D0];
	v44 =	vmul.f32 v38, v0;
	v12 =	vadd.f32 v12, v13;
	v11 =	vadd.f32 v2, v11  }
0x168: {  	v22 =	vld [tilespmem:$0x80C0];
	v48 =	vmul.f32 v41, v1;
	v57 =	vadd.f32 v56, v55;
	v29 =	vadd.f32 v61, v60  }
0x169: {  	v10 =	vld [tilespmem:$0x2C00];
	v51 =	vmul.f32 v42, v0;
	v12 =	vadd.f32 v12, v54;
	v11 =	vmax.f32 v11, $0.0e+00  }
0x16a: {  	v3 =	vld [tilespmem:$0x80B0];
	v5 =	vadd.f32 v9, v5;
	v7 =	vadd.f32 v7, v16;
	v6 =	vmul.f32 v11, v6  }
0x16b: {  	v13 =	vld [tilespmem:$0x8010];
	v8 =	vadd.f32 v8, v24;
	v20 =	vadd.f32 v53, v52;
	v12 =	vmax.f32 v12, $0.0e+00  }
0x16c: {  	v50 =	vld [tilespmem:$0x1F00];
	v24 =	vadd.f32 v59, v58;
	v4 =	vmul.f32 v12, v4;
	v6 =	vadd.f32 $0.0e+00, v6  }
0x16d: {  	v56 =	vld [tilespmem:$0x8090];
	v43 =	vmul.f32 v37, v1;
	v29 =	vadd.f32 v29, v40;
	v2 =	vmax.f32 v5, $0.0e+00  }
0x16e: {  	v61 =	vld [tilespmem:$0x2C80];
	v24 =	vadd.f32 v24, v36;
	v19 =	vmul.f32 v2, v19;
	v4 =	vadd.f32 v4, v6  }
0x16f: {  	v9 =	vld [tilespmem:$0x1600];
	v30 =	vadd.f32 v44, v43;
	v7 =	vmax.f32 v7, $0.0e+00;
	v17 =	vmax.f32 v17, $0.0e+00  }
0x170: {  	v16 =	vld [tilespmem:$0x1E00];
	v36 =	vadd.f32 v51, v48;
	v49 =	vmul.f32 v7, v23;
	v4 =	vadd.f32 v19, v4  }
0x171: {  	v52 =	vld [tilespmem:$0x8060];
	v8 =	vmax.f32 v8, $0.0e+00;
	v29 =	vmax.f32 v29, $0.0e+00;
	v12 =	vadd.f32 v12, v13  }
0x172: {  	v54 =	vld [tilespmem:$0x80A0];
	v53 =	vmul.f32 v17, v27;
	v7 =	vadd.f32 v7, v62;
	v4 =	vadd.f32 v49, v4  }
0x173: {  	v59 =	vld [tilespmem:$0x1E80];
	v55 =	vmul.f32 v8, v31;
	v17 =	vadd.f32 v17, v63;
	v5 =	vadd.f32 v20, v28  }
0x174: {  	v37 =	vld [tilespmem:$0x2D00];
	v8 =	vadd.f32 v8, v45;
	v23 =	vmul.f32 v50, v0;
	v4 =	vadd.f32 v53, v4  }
0x175: {  	v40 =	vld [tilespmem:$0x2D80];
	v42 =	vmul.f32 v29, v61;
	v20 =	vadd.f32 v57, v32;
	v5 =	vmax.f32 v5, $0.0e+00  }
0x176: {  	v14 =	vld [tilespmem:$0x8000];
	v50 =	vadd.f32 v29, v56;
	v58 =	vmul.f32 v5, v35;
	v4 =	vadd.f32 v55, v4  }
0x177: {  	v63 =	vld [tilespmem:$0x1680];
	v18 =	vadd.f32 v30, v18;
	v15 =	vadd.f32 v36, v15;
	v60 =	vmax.f32 v20, $0.0e+00  }
0x178: {  	v43 =	vld [tilespmem:$0x2680];
	v36 =	vmul.f32 v47, v1;
	v62 =	vmul.f32 v60, v39;
	v4 =	vadd.f32 v58, v4  }
0x179: {  	v30 =	vld [tilespmem:$0x8070];
	v24 =	vmax.f32 v24, $0.0e+00;
	v9 =	vmul.f32 v9, v1;
	v16 =	vmul.f32 v16, v0  }
0x17a: {  	v10 =	vmul.f32 v24, v10;
	v41 =	vmax.f32 v18, $0.0e+00;
	v39 =	vld [tilespmem:$0x1700];
	v4 =	vadd.f32 v62, v4  }
0x17b: {  	v44 =	vld [tilespmem:$0x2E00];
	v15 =	vmax.f32 v15, $0.0e+00;
	v9 =	vadd.f32 v16, v9;
	v11 =	vadd.f32 v11, v14  }
0x17c: {  	v48 =	vld [tilespmem:$0x2700];
	[tilespmem:$0x8010] =	vst v12;
	v5 =	vadd.f32 v5, v52;
	v45 =	vmul.f32 v63, v1;
	v4 =	vadd.f32 v10, v4  }
0x17d: {  	v57 =	vld [tilespmem:$0x8080];
	[tilespmem:$0x8030] =	vst v7;
	v3 =	vadd.f32 v15, v3;
	v6 =	vmul.f32 v46, v0;
	v0 =	vmul.f32 v59, v0  }
0x17e: {  	v28 =	vld [tilespmem:$0x2780];
	[tilespmem:$0x8040] =	vst v17;
	v47 =	vmul.f32 v41, v37;
	v9 =	vadd.f32 v9, v25;
	v4 =	vadd.f32 v42, v4  }
0x17f: {  	[tilespmem:$0x8050] =	vst v8;
	v13 =	vadd.f32 v60, v30;
	v1 =	vmul.f32 v39, v1;
	v0 =	vadd.f32 v0, v45;
	v49 =	vld [tilespmem:$0x2E80]  }
0x180: {  	[tilespmem:$0x8090] =	vst v50;
	v51 =	vmul.f32 v15, v40;
	v52 =	vld [tilespmem:$0x80E0];
	v46 =	vadd.f32 v41, v54;
	v4 =	vadd.f32 v47, v4  }
0x181: {  	[tilespmem:$0x8000] =	vst v11;
	v54 =	vld [tilespmem:$0x2F00];
	v1 =	vadd.f32 v23, v1;
	v0 =	vadd.f32 v0, v43;
	v53 =	vmax.f32 v9, $0.0e+00  }
0x182: {  	[tilespmem:$0x8060] =	vst v5;
	v56 =	vmul.f32 v53, v44;
	v55 =	vadd.f32 v24, v57;
	v57 =	vld [tilespmem:$0x80F0];
	v4 =	vadd.f32 v51, v4  }
0x183: {  	[tilespmem:$0x80B0] =	vst v3;
	v6 =	vadd.f32 v6, v36;
	v1 =	vadd.f32 v1, v48;
	v0 =	vmax.f32 v0, $0.0e+00;
	v58 =	vld [tilespmem:$0x2F80]  }
0x184: {  	[tilespmem:$0x8070] =	vst v13;
	v7 =	vadd.f32 v53, v22;
	v59 =	vmul.f32 v0, v49;
	v4 =	vadd.f32 v56, v4  }
0x185: {  	v60 =	vld [tilespmem:$0x8020];
	[tilespmem:$0x80A0] =	vst v46;
	v6 =	vadd.f32 v6, v28;
	v1 =	vmax.f32 v1, $0.0e+00  }
0x186: {  	v61 =	vmul.f32 v1, v54;
	v1 =	vadd.f32 v1, v52;
	[tilespmem:$0x80C0] =	vst v7;
	v3 =	vadd.f32 v59, v4  }
0x187: {  	v0 =	vadd.f32 v0, v21;
	[tilespmem:$0x8080] =	vst v55;
	v62 =	vmax.f32 v6, $0.0e+00  }
0x188: {  	[tilespmem:$0x80E0] =	vst v1;
	v5 =	vadd.f32 v62, v57;
	v63 =	vmul.f32 v62, v58;
	v3 =	vadd.f32 v61, v3  }
0x189: {  	[tilespmem:$0x80D0] =	vst v0  }
0x18a: {  	s12 =	simm.s32 $0x40;
	v0 =	vadd.f32 v2, v60;
	[tilespmem:$0x80F0] =	vst v5;
	v1 =	vadd.f32 v63, v3  }
.LBB2_17:
0x18b: {  	_ = 	snop  }
0x18c: {  	s13 =	sshra.s32 s12, $0x2;
	p0 =	sne.s32 s12, $0x1F00;
	s12 =	sadd.s32 $0x40, s12;
	[tilespmem:$0x8020] =	vst v0  }
0x18d: {  	v0 =	vld [tilespmem:s13+$0x6800];
	[tilespmem:s11+$0x7000] =	vst v1;
	s11 =	smov.u32 s13  }
0x18e: {  	v3 =	vld [tilespmem:$0x2880]  }
0x18f: {  	v1 =	vld [tilespmem:$0x1A00]  }
0x190: {  	v6 =	vld [tilespmem:$0x1200]  }
0x191: {  	v7 =	vld [tilespmem:$0x2100]  }
0x192: {  	v4 =	vld [tilespmem:$0x2800]  }
0x193: {  	v8 =	vld [tilespmem:$0x1980]  }
0x194: {  	v9 =	vld [tilespmem:$0x1180]  }
0x195: {  	v2 =	vld [tilespmem:$0x1900]  }
0x196: {  	v10 =	vld [tilespmem:$0x1100]  }
0x197: {  	v5 =	vld [tilespmem:$0x2000]  }
0x198: {  	v11 =	vld [tilespmem:$0x1880]  }
0x199: {  	v12 =	vld [tilespmem:$0x1080]  }
0x19a: {  	v13 =	vld [tilespmem:$0x1800];
	v14 =	vmul.f32 v2, v0  }
0x19b: {  	v2 =	vld [tilespmem:s11+$0x6000]  }
0x19c: {  	v8 =	vmul.f32 v8, v0;
	v15 =	vld [tilespmem:$0x2580]  }
0x19d: {  	v11 =	vmul.f32 v11, v0;
	v16 =	vld [tilespmem:$0x2180]  }
0x19e: {  	v17 =	vld [tilespmem:$0x1280]  }
0x19f: {  	v13 =	vmul.f32 v13, v0;
	v18 =	vld [tilespmem:$0x1A80]  }
0x1a0: {  	v1 =	vmul.f32 v1, v0;
	v12 =	vmul.f32 v12, v2;
	v19 =	vld [tilespmem:$0x2900]  }
0x1a1: {  	v10 =	vmul.f32 v10, v2;
	v9 =	vmul.f32 v9, v2;
	v20 =	vld [tilespmem:$0x2200]  }
0x1a2: {  	v21 =	vmul.f32 v6, v2;
	v22 =	vld [tilespmem:$0x1300]  }
0x1a3: {  	v10 =	vadd.f32 v14, v10;
	v8 =	vadd.f32 v8, v9;
	v9 =	vmul.f32 v17, v2;
	v14 =	vld [tilespmem:$0x1B00]  }
0x1a4: {  	v1 =	vadd.f32 v1, v21;
	v6 =	vld [tilespmem:$0x2980];
	v17 =	vmul.f32 v18, v0  }
0x1a5: {  	v7 =	vadd.f32 v10, v7;
	v8 =	vadd.f32 v8, v16;
	v10 =	vld [tilespmem:$0x2280]  }
0x1a6: {  	v16 =	vadd.f32 v1, v20;
	v18 =	vld [tilespmem:$0x1380]  }
0x1a7: {  	v1 =	vmax.f32 v7, $0.0e+00;
	v7 =	vmul.f32 v22, v2;
	v20 =	vld [tilespmem:$0x1B80]  }
0x1a8: {  	v9 =	vadd.f32 v17, v9;
	v19 =	vmul.f32 v1, v19;
	v21 =	vld [tilespmem:$0x2A00];
	v14 =	vmul.f32 v14, v0  }
0x1a9: {  	v17 =	vld [tilespmem:$0x2300]  }
0x1aa: {  	v9 =	vadd.f32 v9, v10;
	v10 =	vld [tilespmem:$0x1400]  }
0x1ab: {  	v18 =	vmul.f32 v18, v2;
	v22 =	vld [tilespmem:$0x1C00]  }
0x1ac: {  	v7 =	vadd.f32 v14, v7;
	v23 =	vld [tilespmem:$0x2A80];
	v14 =	vmul.f32 v20, v0  }
0x1ad: {  	v20 =	vld [tilespmem:$0x2380]  }
0x1ae: {  	v17 =	vadd.f32 v7, v17;
	v7 =	vadd.f32 v14, v18;
	v14 =	vld [tilespmem:$0x1480]  }
0x1af: {  	v10 =	vmul.f32 v10, v2;
	v18 =	vld [tilespmem:$0x1C80]  }
0x1b0: {  	v24 =	vld [tilespmem:$0x2B00]  }
0x1b1: {  	v22 =	vmul.f32 v22, v0;
	v25 =	vld [tilespmem:$0x2400]  }
0x1b2: {  	v20 =	vadd.f32 v7, v20;
	v7 =	vld [tilespmem:$0x1500]  }
0x1b3: {  	v14 =	vmul.f32 v14, v2;
	v26 =	vld [tilespmem:$0x1D00]  }
0x1b4: {  	v10 =	vadd.f32 v22, v10;
	v27 =	vld [tilespmem:$0x2B80];
	v18 =	vmul.f32 v18, v0  }
0x1b5: {  	v22 =	vld [tilespmem:$0x2480]  }
0x1b6: {  	v10 =	vadd.f32 v10, v25;
	v25 =	vld [tilespmem:$0x1580]  }
0x1b7: {  	v7 =	vmul.f32 v7, v2;
	v28 =	vld [tilespmem:$0x1D80]  }
0x1b8: {  	v14 =	vadd.f32 v18, v14;
	v29 =	vld [tilespmem:$0x1000];
	v18 =	vmul.f32 v26, v0  }
0x1b9: {  	v26 =	vld [tilespmem:$0x2C00]  }
0x1ba: {  	v14 =	vadd.f32 v14, v22;
	v18 =	vadd.f32 v18, v7;
	v22 =	vld [tilespmem:$0x2500]  }
0x1bb: {  	v25 =	vmul.f32 v25, v2;
	v30 =	vld [tilespmem:$0x1600]  }
0x1bc: {  	v28 =	vmul.f32 v28, v0;
	v31 =	vld [tilespmem:$0x1E00]  }
0x1bd: {  	v29 =	vmul.f32 v29, v2;
	v7 =	vld [tilespmem:$0x80B0]  }
0x1be: {  	v32 =	vld [tilespmem:$0x2080];
	v25 =	vadd.f32 v28, v25  }
0x1bf: {  	v13 =	vadd.f32 v13, v29;
	v28 =	vld [tilespmem:$0x8000];
	v18 =	vadd.f32 v18, v22  }
0x1c0: {  	v15 =	vadd.f32 v25, v15;
	v22 =	vmul.f32 v30, v2;
	v25 =	vld [tilespmem:$0x2600]  }
0x1c1: {  	v11 =	vadd.f32 v11, v12;
	v13 =	vadd.f32 v13, v5;
	v12 =	vld [tilespmem:$0x8010];
	v29 =	vmul.f32 v31, v0  }
0x1c2: {  	v5 =	vld [tilespmem:$0x80D0]  }
0x1c3: {  	v13 =	vmax.f32 v13, $0.0e+00;
	v11 =	vadd.f32 v11, v32;
	v22 =	vadd.f32 v29, v22;
	v29 =	vld [tilespmem:$0x80C0]  }
0x1c4: {  	v4 =	vmul.f32 v13, v4;
	v13 =	vadd.f32 v13, v28;
	v28 =	vld [tilespmem:$0x2780]  }
0x1c5: {  	v11 =	vmax.f32 v11, $0.0e+00;
	v30 =	vld [tilespmem:$0x8030];
	v22 =	vadd.f32 v22, v25  }
0x1c6: {  	v4 =	vadd.f32 $0.0e+00, v4;
	[tilespmem:$0x8000] =	vst v13;
	v3 =	vmul.f32 v11, v3;
	v11 =	vadd.f32 v11, v12;
	v12 =	vld [tilespmem:$0x8040]  }
0x1c7: {  	v13 =	vld [tilespmem:$0x8050]  }
0x1c8: {  	v3 =	vadd.f32 v3, v4;
	[tilespmem:$0x8010] =	vst v11;
	v4 =	vld [tilespmem:$0x1F80]  }
0x1c9: {  	v8 =	vmax.f32 v8, $0.0e+00;
	v11 =	vmax.f32 v16, $0.0e+00;
	v16 =	vld [tilespmem:$0x1780]  }
0x1ca: {  	v6 =	vmul.f32 v8, v6;
	v3 =	vadd.f32 v19, v3;
	v8 =	vadd.f32 v8, v30;
	v19 =	vld [tilespmem:$0x1F00]  }
0x1cb: {  	v9 =	vmax.f32 v9, $0.0e+00;
	v12 =	vadd.f32 v11, v12;
	v25 =	vld [tilespmem:$0x8060]  }
0x1cc: {  	v3 =	vadd.f32 v6, v3;
	[tilespmem:$0x8030] =	vst v8;
	v6 =	vmul.f32 v11, v21;
	v8 =	vadd.f32 v9, v13;
	v11 =	vld [tilespmem:$0x80A0]  }
0x1cd: {  	[tilespmem:$0x8040] =	vst v12;
	v12 =	vmax.f32 v17, $0.0e+00;
	v13 =	vld [tilespmem:$0x8070];
	v4 =	vmul.f32 v4, v0  }
0x1ce: {  	v3 =	vadd.f32 v6, v3;
	v6 =	vmul.f32 v9, v23;
	[tilespmem:$0x8050] =	vst v8;
	v8 =	vld [tilespmem:$0x8090];
	v9 =	vmul.f32 v16, v2  }
0x1cf: {  	v17 =	vmax.f32 v20, $0.0e+00;
	v16 =	vmul.f32 v12, v24;
	v20 =	vld [tilespmem:$0x8080];
	v19 =	vmul.f32 v19, v0  }
0x1d0: {  	v3 =	vadd.f32 v6, v3;
	v6 =	vmax.f32 v18, $0.0e+00;
	v18 =	vld [tilespmem:$0x1E80];
	v4 =	vadd.f32 v4, v9  }
0x1d1: {  	v9 =	vadd.f32 v12, v25;
	v12 =	vmax.f32 v14, $0.0e+00;
	v14 =	vld [tilespmem:$0x2C80];
	v11 =	vadd.f32 v6, v11  }
0x1d2: {  	v3 =	vadd.f32 v16, v3;
	v16 =	vmul.f32 v17, v27;
	v21 =	vld [tilespmem:$0x1680];
	v4 =	vadd.f32 v4, v28  }
0x1d3: {  	v10 =	vmax.f32 v10, $0.0e+00;
	v13 =	vadd.f32 v17, v13;
	v8 =	vadd.f32 v12, v8;
	v17 =	vld [tilespmem:$0x2D00];
	[tilespmem:$0x80A0] =	vst v11  }
0x1d4: {  	[tilespmem:$0x8060] =	vst v9;
	v3 =	vadd.f32 v16, v3;
	v9 =	vmul.f32 v10, v26;
	v10 =	vadd.f32 v10, v20;
	v11 =	vld [tilespmem:$0x1700]  }
0x1d5: {  	[tilespmem:$0x8090] =	vst v8;
	v8 =	vld [tilespmem:$0x2D80];
	v0 =	vmul.f32 v18, v0  }
0x1d6: {  	v3 =	vadd.f32 v9, v3;
	[tilespmem:$0x8080] =	vst v10;
	v9 =	vmul.f32 v12, v14;
	v10 =	vld [tilespmem:$0x2680]  }
0x1d7: {  	[tilespmem:$0x8070] =	vst v13;
	v12 =	vld [tilespmem:$0x2E00];
	v13 =	vmul.f32 v21, v2  }
0x1d8: {  	v3 =	vadd.f32 v9, v3;
	v6 =	vmul.f32 v6, v17;
	v9 =	vld [tilespmem:$0x2700]  }
0x1d9: {  	v14 =	vmax.f32 v15, $0.0e+00;
	v0 =	vadd.f32 v0, v13;
	v13 =	vld [tilespmem:$0x2E80];
	v2 =	vmul.f32 v11, v2  }
0x1da: {  	v7 =	vadd.f32 v14, v7;
	v3 =	vadd.f32 v6, v3;
	v6 =	vmul.f32 v14, v8;
	v8 =	vld [tilespmem:$0x80E0]  }
0x1db: {  	v11 =	vmax.f32 v22, $0.0e+00;
	v0 =	vadd.f32 v0, v10;
	v2 =	vadd.f32 v19, v2;
	v10 =	vld [tilespmem:$0x2F00]  }
0x1dc: {  	v3 =	vadd.f32 v6, v3;
	[tilespmem:$0x80B0] =	vst v7;
	v6 =	vmul.f32 v11, v12;
	v7 =	vadd.f32 v11, v29;
	v11 =	vld [tilespmem:$0x80F0]  }
0x1dd: {  	v0 =	vmax.f32 v0, $0.0e+00;
	v2 =	vadd.f32 v2, v9;
	v9 =	vld [tilespmem:$0x2F80]  }
0x1de: {  	v3 =	vadd.f32 v6, v3;
	[tilespmem:$0x80C0] =	vst v7;
	v6 =	vmul.f32 v0, v13;
	v0 =	vadd.f32 v0, v5  }
0x1df: {  	v5 =	vld [tilespmem:$0x8020];
	v2 =	vmax.f32 v2, $0.0e+00  }
.Ltmp8:
0x1e0: {  	v3 =	vadd.f32 v6, v3;
	[tilespmem:$0x80D0] =	vst v0;
	v0 =	vmul.f32 v2, v10;
	v2 =	vadd.f32 v2, v8;
	(pc) =	sbr.rel @p0 .LBB2_17-.Ltmp8, $3  }
0x1e1: {  	v4 =	vmax.f32 v4, $0.0e+00  }
0x1e2: {  	v3 =	vadd.f32 v0, v3;
	[tilespmem:$0x80E0] =	vst v2;
	v2 =	vmul.f32 v4, v9;
	v4 =	vadd.f32 v4, v11;
	_ =	sdelay $0x1  }
0x1e3: {  	v0 =	vadd.f32 v1, v5;
	v1 =	vadd.f32 v2, v3;
	[tilespmem:$0x80F0] =	vst v4  }
0x1e4: {  	s6 =	sshll.u32 s6, $0xB  }
0x1e5: {  	s6 =	sor.u32 s7, s6  }
0x1e6: {  	s26 =	simm.s32 $0x80;
	s28 =	simm.s32 $0x400;
	[tilespmem:$0x8020] =	vst v0;
	s6 =	sshrl.u32 s6, $0x3  }
0x1e7: {  	s29 =	simm.s32 $0x8000;
	s30 =	simm.s32 $0x1;
	[tilespmem:s11+$0x7000] =	vst v1;
	s6 =	sadd.s32 s8, s6  }
0x1e8: {  	[hbm4b:s6+s26] =	stream.strided.scatter [tilespmem:s29], [sflag:$0x1], $0x100, s28, s26, $0x38;
	[tilespmem:$0x9870] =	vst v63  }
0x1e9: {  	_ =	swait.ge [sflag:s30], $0x100  }
0x1ea: {  	[sflag:s30] =	ssyncset.done $0x0  }
0x1eb: {  	[sflag:s30] =	ssyncadd.s32 $0xFFFFFF00  }
0x1ec: {  	s31 =	simm.s32 $0x7000;
	[bflag:$0x0] =	sbarrier.arrive $0xFFFF  }
0x1ed: {  	[spmem:s10] =	stream.linear.scatter [tilespmem:s31], [sflag:$0x1], $0x7D0, $0x38;
	[tilespmem:$0x9870] =	vst v63  }
0x1ee: {  	_ =	swait.ge [sflag:s30], $0x7D0  }
0x1ef: {  	[sflag:s30] =	ssyncset.done $0x0  }
0x1f0: {  	s6 =	simm.s32 $0x0;
	[sflag:s30] =	ssyncadd.s32 $0xFFFFF830  }
0x1f1: {  	v0 =	vld [tilespmem:s6+$0x5000]  }
0x1f2: {  	s7 =	simm.s32 $0x40;
	v1 =	vld [tilespmem:s6+$0x7000]  }
.LBB2_19:
0x1f3: {  	_ = 	snop  }
0x1f4: {  	p0 =	sne.s32 s7, $0x1F00  }
.Ltmp9:
0x1f5: {  	_ = 	snop;
	(pc) =	sbr.rel @p0 .LBB2_19-.Ltmp9, $4  }
0x1f6: {  	_ = 	snop  }
0x1f7: {  	s8 =	sshra.s32 s7, $0x2;
	v2 =	vmul.f32 v1, v0  }
0x1f8: {  	v0 =	vld [tilespmem:s8+$0x5000]  }
0x1f9: {  	s7 =	sadd.s32 $0x40, s7;
	v1 =	vld [tilespmem:s8+$0x7000];
	[tilespmem:s6+$0x4800] =	vst v2;
	s6 =	smov.u32 s8  }
0x1fa: {  	_ =	sdelay $0x3  }
0x1fb: {  	v0 =	vmul.f32 v1, v0;
	_ =	sdelay $0x1  }
0x1fc: {  	s30 =	simm.s32 $0x4800;
	s31 =	simm.s32 $0x1;
	[tilespmem:s6+$0x4800] =	vst v0  }
0x1fd: {  	[spmem:s5] =	stream.linear.scatter [tilespmem:s30], [sflag:$0x1], $0x7D0, $0x38;
	[tilespmem:$0x9870] =	vst v63  }
0x1fe: {  	_ =	swait.ge [sflag:s31], $0x7D0  }
0x1ff: {  	[sflag:s31] =	ssyncset.done $0x0  }
0x200: {  	s7 =	simm.s32 $0x7D0;
	[sflag:s31] =	ssyncadd.s32 $0xFFFFF830  }
0x201: {  	s8 =	simm.s32 $0x0;
	s10 =	simm.s32 $0x3000;
	[bflag:$0x0] =	sbarrier.arrive $0xFFFF  }
0x202: {  	[tilespmem:s10], [sflag:$0x1] =	stream.indirect.gather [spmem:s3], $0x1, s8, s7, $0xb8;
	[tilespmem:$0x9870] =	vst v63  }
0x203: {  	_ =	swait.ge [sflag:s31], $0x7D0  }
0x204: {  	[sflag:s31] =	ssyncset.done $0x0  }
0x205: {  	s3 =	simm.s32 $0x0;
	[sflag:s31] =	ssyncadd.s32 $0xFFFFF830  }
0x206: {  	v0 =	vld [tilespmem:s3+$0x3000]  }
0x207: {  	s6 =	simm.s32 $0x40;
	v1 =	vld [tilespmem:s3+$0x4000]  }
.LBB2_21:
0x208: {  	_ = 	snop  }
0x209: {  	p0 =	sne.s32 s6, $0x1F00  }
.Ltmp10:
0x20a: {  	_ = 	snop;
	(pc) =	sbr.rel @p0 .LBB2_21-.Ltmp10, $4  }
0x20b: {  	_ = 	snop  }
0x20c: {  	s7 =	sshra.s32 s6, $0x2;
	v2 =	vmul.f32 v1, v0  }
0x20d: {  	v0 =	vld [tilespmem:s7+$0x3000]  }
0x20e: {  	s6 =	sadd.s32 $0x40, s6;
	v1 =	vld [tilespmem:s7+$0x4000];
	[tilespmem:s3+$0x3800] =	vst v2;
	s3 =	smov.u32 s7  }
0x20f: {  	_ =	sdelay $0x3  }
0x210: {  	v0 =	vmul.f32 v1, v0  }
0x211: {  	s28 =	simm.s32 $0x7D0  }
0x212: {  	s6 =	simm.s32 $0x800;
	s7 =	simm.s32 $0x3800;
	s29 =	simm.s32 $0x1;
	[tilespmem:s3+$0x3800] =	vst v0  }
0x213: {  	[spmem:s2] =	stream.indirect.scatter.add.f32 [tilespmem:s7], [sflag:$0x1], $0x1, s6, s28, $0xb8;
	[tilespmem:$0x9870] =	vst v63  }
0x214: {  	_ =	swait.ge [sflag:s29], $0x7D0  }
0x215: {  	[sflag:s29] =	ssyncset.done $0x0  }
0x216: {  	[sflag:s29] =	ssyncadd.s32 $0xFFFFF830  }
0x217: {  	s30 =	simm.s32 $0x7800;
	[bflag:$0x0] =	sbarrier.arrive $0xFFFF  }
0x218: {  	[tilespmem:s30], [sflag:$0x1] =	stream.linear.gather [spmem:s5], $0x7D0, $0x38;
	[tilespmem:$0x9870] =	vst v63  }
0x219: {  	_ =	swait.ge [sflag:s29], $0x7D0  }
0x21a: {  	[sflag:s29] =	ssyncset.done $0x0  }
0x21b: {  	s4 =	sadd.s32 s4, s9;
	s31 =	simm.s32 $0x0;
	[sflag:s29] =	ssyncadd.s32 $0xFFFFF830  }
0x21c: {  	[hbm4b:s4+s31] =	stream.linear.scatter [tilespmem:s30], [sflag:$0x1], $0x7D0, $0x38;
	[tilespmem:$0x9870] =	vst v63  }
0x21d: {  	_ =	swait.ge [sflag:s29], $0x7D0  }
0x21e: {  	[sflag:s29] =	ssyncset.done $0x0  }
0x21f: {  	[sflag:s29] =	ssyncadd.s32 $0xFFFFF830  }
0x220: {  	_ =	sfence.sel $0x180000  }
0x221: {  	[bflag:$0x0] =	sbarrier.arrive $0xFFFF  }
0x222: {  	p0 =	sne.s32 s1, $0x0;
	_ =	strace $0x90000047  }
0x223: {  	s0 =	sadd.s32 @!p0 $0x100000, s0;
	[bflag:$0x2] =	sbarrier.arrive $0xFFFF  }
0x224: {  	[sflag:s0] =	ssyncadd.tile.s32 @!p0 $0x1;
	_ =	shalt  }
.Lfunc_end2:
_tile_overlayer_lowered:
.L_overlay_start_2:
0x225: {  	(tag) =	ssettag $0x2  }
0x226: {  	s0 =	rddreg [dreg:$0x0];
	s2 =	stileid.u32  }
0x227: {  	s1 =	rddreg [dreg:$0x1];
	p0 =	sne.s32 s2, $0x0  }
0x228: {  	s3 =	rddreg [dreg:$0x2];
	[bflag:$0x3] =	sbarrier.arrive $0xFFFF;
	s2 =	simm.s32 @!p0 $0x1C01  }
0x229: {  	[timem:s3], [sflag:s2] =	dma.local @!p0 [hbm:s0], s1  }
0x22a: {  	s0 =	simm.s32 @!p0 $0x1  }
0x22b: {  	_ =	swait.ge @!p0 [sflag:s0], s1  }
0x22c: {  	s1 =	ssub.s32 @!p0 $0x0, s1;
	[sflag:s0] =	ssyncset.done @!p0 $0x0  }
0x22d: {  	[sflag:s0] =	ssyncadd.s32 @!p0 s1  }
0x22e: {  	[bflag:$0x3] =	sbarrier.arrive $0xFFFF  }
0x22f: {  	_ =	shalt  }

</sc_bundles>
